<compile_context>
chip_gen: v7x
topology: tpu7x:2x2x1
jax: 0.10.2.dev20260603
libtpu: 0.0.44.dev20260713+nightly
codegen_flags: <defaults>
</compile_context>

<pallas_src>
import functools

import jax
import jax.numpy as jnp
from jax import lax
from jax.experimental import pallas as pl
from jax.experimental.pallas import tpu as pltpu
from jax.experimental.pallas import tpu_sc as plsc

_NVX, _NVY, _VIEWS, _NDETU, _EXTENT, _CH = 256, 256, 64, 512, 2, 8
_VD = _VIEWS * _NDETU
_VE = _VIEWS * _EXTENT
_NP = _NVX * _NVY * _VE
_NC, _NS, _L = 2, 16, 16
_NW = _NC * _NS
_CPT = 2
_NCHG = _CH // _CPT
_NRANGE = _NW // _NCHG
_PPT = _NP // _NRANGE
_CHUNK = 8192
_NCHUNK = _PPT // _CHUNK

_mesh = plsc.VectorSubcoreMesh(core_axis_name="c", subcore_axis_name="s")


def _pack_body(t_ref, o_ref):
    t = t_ref[...]
    nxt = jnp.concatenate([t[:, 1:], t[:, -1:]], axis=1)
    tb = lax.bitcast_convert_type(t.astype(jnp.bfloat16), jnp.uint16)
    db = lax.bitcast_convert_type((nxt - t).astype(jnp.bfloat16), jnp.uint16)
    word = (db.astype(jnp.uint32) << 16) | tb.astype(jnp.uint32)
    o_ref[...] = lax.bitcast_convert_type(word, jnp.int32)


_pack_tables = pl.pallas_call(
    _pack_body,
    out_shape=jax.ShapeDtypeStruct((_CH, _VD), jnp.int32),
)


@functools.partial(
    pl.kernel,
    out_type=jax.ShapeDtypeStruct((_CH * _NP,), jnp.float32),
    mesh=_mesh,
    scratch_types=[
        pltpu.VMEM((_VD,), jnp.int32),
        pltpu.VMEM((_VD,), jnp.int32),
        pltpu.VMEM((_CHUNK,), jnp.float32),
        pltpu.VMEM((_CHUNK,), jnp.float32),
        pltpu.VMEM((_CPT * _CHUNK,), jnp.float32),
        pltpu.VMEM((_CPT * _CHUNK,), jnp.float32),
        pltpu.SemaphoreType.DMA,
        pltpu.SemaphoreType.DMA,
        pltpu.SemaphoreType.DMA,
        pltpu.SemaphoreType.DMA,
    ],
    compiler_params=pltpu.CompilerParams(needs_layout_passes=False),
)
def _backproj(table_hbm, idx_hbm, out_hbm, tab0, tab1, idx0, idx1, out0, out1,
              si0, si1, so0, so1):
    cid = lax.axis_index("c")
    sid = lax.axis_index("s")
    wid = sid * _NC + cid
    chg = wid % _NCHG
    rng = wid // _NCHG
    base = rng * _PPT
    idx_b = (idx0, idx1)
    out_b = (out0, out1)
    si_b = (si0, si1)
    so_b = (so0, so1)

    tab_b = (tab0, tab1)
    for c in range(_CPT):
        pltpu.sync_copy(table_hbm.at[pl.ds((chg * _CPT + c) * _VD, _VD)],
                        tab_b[c])

    def idx_copy(k, b):
        return pltpu.make_async_copy(
            idx_hbm.at[pl.ds(base + k * _CHUNK, _CHUNK)], idx_b[b], si_b[b])

    def out_copy(k, b, c):
        return pltpu.make_async_copy(
            out_b[b].at[pl.ds(c * _CHUNK, _CHUNK)],
            out_hbm.at[pl.ds((chg * _CPT + c) * _NP + base + k * _CHUNK,
                             _CHUNK)],
            so_b[b])

    idx_copy(0, 0).start()
    idx_copy(1, 1).start()

    def pair_body(g, _):
        for b in range(2):
            k = g * 2 + b
            idx_copy(k, b).wait()

            @pl.when(k >= 2)
            def _wait_out():
                for c in range(_CPT):
                    out_copy(k - 2, b, c).wait()

            idx_v, out_v = idx_b[b], out_b[b]

            @plsc.parallel_loop(0, _CHUNK // _L, unroll=6)
            def _grp(i):
                ind = idx_v[pl.ds(i * _L, _L)]
                low = ind.astype(jnp.int32)
                w = ind - low.astype(jnp.float32)
                for c in range(_CPT):
                    g32 = plsc.load_gather(tab_b[c], [low])
                    lo = plsc.bitcast(g32 << 16, jnp.float32)
                    d = plsc.bitcast(g32, jnp.float32)
                    out_v[pl.ds(c * _CHUNK + i * _L, _L)] = lo + w * d

            for c in range(_CPT):
                out_copy(k, b, c).start()

            @pl.when(k + 2 < _NCHUNK)
            def _next_idx():
                idx_copy(k + 2, b).start()
        return 0

    lax.fori_loop(0, _NCHUNK // 2, pair_body, 0)
    for b in range(2):
        for c in range(_CPT):
            out_copy(_NCHUNK - 2 + b, b, c).wait()


def kernel(input, indices):
    table = _pack_tables(input.reshape(_CH, _VD)).reshape(_CH * _VD)
    idx = indices.reshape(_NP)
    out = _backproj(table, idx)
    return out.reshape(1, _CH, _NVX, _NVY, _VE)

# --- scband reference (transcript-rebuilt; emitter-appended) ---
"""Pipeline reference for scband-back-proj-net-43198781063627 (READ-ONLY COPY).

The authoritative reference and input builder live on the scoring server;
editing this copy changes nothing except your own understanding.
"""

import jax, jax.numpy as jnp
import numpy as np

NVX = 256
NVY = 256
VIEWS = 64
NDETU = 512
EXTENT = 2
CH = 8
VD = VIEWS * NDETU      # 32768 = views * nDetecU
VE = VIEWS * EXTENT     # 128   = views * extent


def setup_inputs(seed: int = 0) -> dict:
    key = jax.random.key(seed)
    k1, k2 = jax.random.split(key)
    inp = jax.random.normal(k1, (1, CH, VD), dtype=jnp.float32)
    # geometry indices: fractional positions into the flattened sinogram, in [0, VD-1)
    indices = jax.random.uniform(k2, (NVX, NVY, VE), dtype=jnp.float32) * (VD - 1)
    return {"input": inp, "indices": indices}


def reference(input, indices):
    inp = input.reshape(1, CH, VD)
    ind = indices.reshape(NVX, NVY, VE)
    indices_low = jnp.floor(ind)
    indices_high = jnp.ceil(ind)
    weight = ind - jnp.floor(ind)  # torch.frac for non-negative values
    indices_high = jnp.where(indices_high == VD, VD - 1, indices_high)
    flat_low = indices_low.astype(jnp.int32).reshape(-1)
    flat_high = indices_high.astype(jnp.int32).reshape(-1)
    radon_filtered_low = jnp.take(inp, flat_low, axis=2)
    radon_filtered_high = jnp.take(inp, flat_high, axis=2)
    w = weight.reshape(-1)
    output = radon_filtered_low * (1.0 - w) + radon_filtered_high * w
    output = output.reshape(-1, CH, NVX, NVY, VE)
    return output

if __name__ == "__main__":
    import jax
    _d = setup_inputs()
    print(jax.jit(kernel)(*tuple(_d.values())))

</pallas_src>

<mosaic_0001>
#map = affine_map<(d0, d1) -> (0)>
module attributes {stable_mosaic.version = 14 : i64} {
  func.func @_backproj(%arg0: i32, %arg1: i32, %arg2: memref<262144xi32, #tpu.memory_space<hbm>>, %arg3: memref<8388608xf32, #tpu.memory_space<hbm>>, %arg4: memref<67108864xf32, #tpu.memory_space<hbm>>, %arg5: memref<32768xi32, #tpu.memory_space<vmem>>, %arg6: memref<32768xi32, #tpu.memory_space<vmem>>, %arg7: memref<8192xf32, #tpu.memory_space<vmem>>, %arg8: memref<8192xf32, #tpu.memory_space<vmem>>, %arg9: memref<16384xf32, #tpu.memory_space<vmem>>, %arg10: memref<16384xf32, #tpu.memory_space<vmem>>, %arg11: memref<!tpu.dma_semaphore, #tpu.memory_space<semaphore_mem>>, %arg12: memref<!tpu.dma_semaphore, #tpu.memory_space<semaphore_mem>>, %arg13: memref<!tpu.dma_semaphore, #tpu.memory_space<semaphore_mem>>, %arg14: memref<!tpu.dma_semaphore, #tpu.memory_space<semaphore_mem>>) attributes {dimension_semantics = [#tpu.dimension_semantics<core_parallel>, #tpu.dimension_semantics<subcore_parallel>], iteration_bounds = array<i64: 2, 16>, scalar_prefetch = 0 : i64, scratch_operands = 10 : i64, tpu.core_type = #tpu.core_type<sc_vector_subcore>, window_params = [{transform_indices = #map}, {transform_indices = #map}, {transform_indices = #map}]} {
    %mul3A = arith.constant 2 : i32
    %mul3A_0 = arith.muli %arg1, %mul3A : i32
    %add3A = arith.addi %mul3A_0, %arg0 : i32
    %jit3A = arith.constant 4 : i32
    %eq3A = arith.constant 0 : i32
    %eq3A_1 = arith.cmpi eq, %jit3A, %eq3A : i32
    %jit3A_2 = arith.constant 1 : i32
    %select_n3A = arith.select %eq3A_1, %jit3A_2, %jit3A : i32
    %rem3A = arith.remsi %add3A, %select_n3A : i32
    %ne3A = arith.constant 0 : i32
    %ne3A_3 = arith.cmpi ne, %rem3A, %ne3A : i32
    %lt3A = arith.constant 0 : i32
    %lt3A_4 = arith.cmpi slt, %rem3A, %lt3A : i32
    %lt3A_5 = arith.constant 0 : i32
    %lt3A_6 = arith.cmpi slt, %select_n3A, %lt3A_5 : i32
    %ne3A_7 = arith.xori %lt3A_4, %lt3A_6 : i1
    %and3A = arith.andi %ne3A_7, %ne3A_3 : i1
    %add3A_8 = arith.addi %rem3A, %select_n3A : i32
    %select_n3A_9 = arith.select %and3A, %add3A_8, %rem3A : i32
    %jit3A_10 = arith.constant 4 : i32
    %div3A = arith.divsi %add3A, %jit3A_10 : i32
    %sign3A = arith.constant 0 : i32
    %sign3A_11 = arith.cmpi sgt, %add3A, %sign3A : i32
    %sign3A_12 = arith.extui %sign3A_11 : i1 to i32
    %sign3A_13 = arith.constant 0 : i32
    %sign3A_14 = arith.cmpi slt, %add3A, %sign3A_13 : i32
    %sign3A_15 = arith.extui %sign3A_14 : i1 to i32
    %sign3A_16 = arith.subi %sign3A_12, %sign3A_15 : i32
    %sign3A_17 = arith.constant 0 : i32
    %sign3A_18 = arith.cmpi sgt, %jit3A_10, %sign3A_17 : i32
    %sign3A_19 = arith.extui %sign3A_18 : i1 to i32
    %sign3A_20 = arith.constant 0 : i32
    %sign3A_21 = arith.cmpi slt, %jit3A_10, %sign3A_20 : i32
    %sign3A_22 = arith.extui %sign3A_21 : i1 to i32
    %sign3A_23 = arith.subi %sign3A_19, %sign3A_22 : i32
    %ne3A_24 = arith.cmpi ne, %sign3A_16, %sign3A_23 : i32
    %rem3A_25 = arith.remsi %add3A, %jit3A_10 : i32
    %ne3A_26 = arith.constant 0 : i32
    %ne3A_27 = arith.cmpi ne, %rem3A_25, %ne3A_26 : i32
    %and3A_28 = arith.andi %ne3A_24, %ne3A_27 : i1
    %sub3A = arith.constant 1 : i32
    %sub3A_29 = arith.subi %div3A, %sub3A : i32
    %select_n3A_30 = arith.select %and3A_28, %sub3A_29, %div3A : i32
    %mul3A_31 = arith.constant 1048576 : i32
    %mul3A_32 = arith.muli %select_n3A_30, %mul3A_31 : i32
    %mul3A_33 = arith.constant 2 : i32
    %mul3A_34 = arith.muli %select_n3A_9, %mul3A_33 : i32
    %add3A_35 = arith.constant 0 : i32
    %add3A_36 = arith.addi %mul3A_34, %add3A_35 : i32
    %mul3A_37 = arith.constant 32768 : i32
    %mul3A_38 = arith.muli %add3A_36, %mul3A_37 : i32
    "tpu.region"() ({
      %run_scoped3A = tpu.sem_alloc : memref<!tpu.dma_semaphore, #tpu.memory_space<semaphore_mem>>
      %dma_start3A_117 = tpu.memref_slice %arg2[%mul3A_38] : memref<262144xi32, #tpu.memory_space<hbm>> -> memref<32768xi32, #tpu.memory_space<hbm>>
      %dma_start3A_118 = tpu.memref_slice %arg2[%mul3A_38] : memref<262144xi32, #tpu.memory_space<hbm>> -> memref<32768xi32, #tpu.memory_space<hbm>>
      tpu.enqueue_dma source(%dma_start3A_118 : memref<32768xi32, #tpu.memory_space<hbm>>) target(%arg5 : memref<32768xi32, #tpu.memory_space<vmem>>) target_semaphore(%run_scoped3A : memref<!tpu.dma_semaphore, #tpu.memory_space<semaphore_mem>>)
      %dma_wait3A_119 = tpu.memref_slice %arg2[%mul3A_38] : memref<262144xi32, #tpu.memory_space<hbm>> -> memref<32768xi32, #tpu.memory_space<hbm>>
      %dma_wait3A_120 = tpu.memref_slice %arg2[%mul3A_38] : memref<262144xi32, #tpu.memory_space<hbm>> -> memref<32768xi32, #tpu.memory_space<hbm>>
      tpu.wait_dma2 semaphore(%run_scoped3A : memref<!tpu.dma_semaphore, #tpu.memory_space<semaphore_mem>>) src(%dma_wait3A_120 : memref<32768xi32, #tpu.memory_space<hbm>>) dst(%arg5 : memref<32768xi32, #tpu.memory_space<vmem>>)
      tpu.yield
    }) : () -> ()
    %mul3A_39 = arith.constant 2 : i32
    %mul3A_40 = arith.muli %select_n3A_9, %mul3A_39 : i32
    %add3A_41 = arith.constant 1 : i32
    %add3A_42 = arith.addi %mul3A_40, %add3A_41 : i32
    %mul3A_43 = arith.constant 32768 : i32
    %mul3A_44 = arith.muli %add3A_42, %mul3A_43 : i32
    "tpu.region"() ({
      %run_scoped3A = tpu.sem_alloc : memref<!tpu.dma_semaphore, #tpu.memory_space<semaphore_mem>>
      %dma_start3A_117 = tpu.memref_slice %arg2[%mul3A_44] : memref<262144xi32, #tpu.memory_space<hbm>> -> memref<32768xi32, #tpu.memory_space<hbm>>
      %dma_start3A_118 = tpu.memref_slice %arg2[%mul3A_44] : memref<262144xi32, #tpu.memory_space<hbm>> -> memref<32768xi32, #tpu.memory_space<hbm>>
      tpu.enqueue_dma source(%dma_start3A_118 : memref<32768xi32, #tpu.memory_space<hbm>>) target(%arg6 : memref<32768xi32, #tpu.memory_space<vmem>>) target_semaphore(%run_scoped3A : memref<!tpu.dma_semaphore, #tpu.memory_space<semaphore_mem>>)
      %dma_wait3A_119 = tpu.memref_slice %arg2[%mul3A_44] : memref<262144xi32, #tpu.memory_space<hbm>> -> memref<32768xi32, #tpu.memory_space<hbm>>
      %dma_wait3A_120 = tpu.memref_slice %arg2[%mul3A_44] : memref<262144xi32, #tpu.memory_space<hbm>> -> memref<32768xi32, #tpu.memory_space<hbm>>
      tpu.wait_dma2 semaphore(%run_scoped3A : memref<!tpu.dma_semaphore, #tpu.memory_space<semaphore_mem>>) src(%dma_wait3A_120 : memref<32768xi32, #tpu.memory_space<hbm>>) dst(%arg6 : memref<32768xi32, #tpu.memory_space<vmem>>)
      tpu.yield
    }) : () -> ()
    %add3A_45 = arith.constant 0 : i32
    %add3A_46 = arith.addi %mul3A_32, %add3A_45 : i32
    %dma_start3A = tpu.memref_slice %arg3[%add3A_46] : memref<8388608xf32, #tpu.memory_space<hbm>> -> memref<8192xf32, #tpu.memory_space<hbm>>
    %dma_start3A_47 = tpu.memref_slice %arg3[%add3A_46] : memref<8388608xf32, #tpu.memory_space<hbm>> -> memref<8192xf32, #tpu.memory_space<hbm>>
    tpu.enqueue_dma source(%dma_start3A_47 : memref<8192xf32, #tpu.memory_space<hbm>>) target(%arg7 : memref<8192xf32, #tpu.memory_space<vmem>>) target_semaphore(%arg11 : memref<!tpu.dma_semaphore, #tpu.memory_space<semaphore_mem>>)
    %add3A_48 = arith.constant 8192 : i32
    %add3A_49 = arith.addi %mul3A_32, %add3A_48 : i32
    %dma_start3A_50 = tpu.memref_slice %arg3[%add3A_49] : memref<8388608xf32, #tpu.memory_space<hbm>> -> memref<8192xf32, #tpu.memory_space<hbm>>
    %dma_start3A_51 = tpu.memref_slice %arg3[%add3A_49] : memref<8388608xf32, #tpu.memory_space<hbm>> -> memref<8192xf32, #tpu.memory_space<hbm>>
    tpu.enqueue_dma source(%dma_start3A_51 : memref<8192xf32, #tpu.memory_space<hbm>>) target(%arg8 : memref<8192xf32, #tpu.memory_space<vmem>>) target_semaphore(%arg12 : memref<!tpu.dma_semaphore, #tpu.memory_space<semaphore_mem>>)
    %scan3A = arith.constant 0 : i32
    %scan3A_52 = arith.constant 0 : i32
    %scan3A_53 = arith.constant 64 : i32
    %scan3A_54 = arith.addi %scan3A_52, %scan3A_53 : i32
    %scan3A_55 = arith.constant 1 : i32
    %scan3A_56 = scf.for %scan3A_117 = %scan3A_52 to %scan3A_54 step %scan3A_55 iter_args(%scan3A_118 = %scan3A) -> (i32)  : i32 {
      %mul3A_119 = arith.constant 2 : i32
      %mul3A_120 = arith.muli %scan3A_117, %mul3A_119 : i32
      %add3A_121 = arith.constant 0 : i32
      %add3A_122 = arith.addi %mul3A_120, %add3A_121 : i32
      %mul3A_123 = arith.constant 8192 : i32
      %mul3A_124 = arith.muli %add3A_122, %mul3A_123 : i32
      %add3A_125 = arith.addi %mul3A_32, %mul3A_124 : i32
      %dma_wait3A_126 = tpu.memref_slice %arg3[%add3A_125] : memref<8388608xf32, #tpu.memory_space<hbm>> -> memref<8192xf32, #tpu.memory_space<hbm>>
      %dma_wait3A_127 = tpu.memref_slice %arg3[%add3A_125] : memref<8388608xf32, #tpu.memory_space<hbm>> -> memref<8192xf32, #tpu.memory_space<hbm>>
      tpu.wait_dma2 semaphore(%arg11 : memref<!tpu.dma_semaphore, #tpu.memory_space<semaphore_mem>>) src(%dma_wait3A_127 : memref<8192xf32, #tpu.memory_space<hbm>>) dst(%arg7 : memref<8192xf32, #tpu.memory_space<vmem>>)
      %ge3A = arith.constant 2 : i32
      %ge3A_128 = arith.cmpi sge, %add3A_122, %ge3A : i32
      %convert_element_type3A = arith.extui %ge3A_128 : i1 to i32
      %cond3A = arith.constant 0 : i32
      %cond3A_129 = arith.cmpi ne, %convert_element_type3A, %cond3A : i32
      scf.if %cond3A_129 {
        %sub3A_228 = arith.constant 2 : i32
        %sub3A_229 = arith.subi %add3A_122, %sub3A_228 : i32
        %mul3A_230 = arith.constant 2 : i32
        %mul3A_231 = arith.muli %select_n3A_9, %mul3A_230 : i32
        %add3A_232 = arith.constant 0 : i32
        %add3A_233 = arith.addi %mul3A_231, %add3A_232 : i32
        %mul3A_234 = arith.constant 8388608 : i32
        %mul3A_235 = arith.muli %add3A_233, %mul3A_234 : i32
        %add3A_236 = arith.addi %mul3A_235, %mul3A_32 : i32
        %mul3A_237 = arith.constant 8192 : i32
        %mul3A_238 = arith.muli %sub3A_229, %mul3A_237 : i32
        %add3A_239 = arith.addi %add3A_236, %mul3A_238 : i32
        %dma_wait3A_240 = arith.constant 0 : i32
        %dma_wait3A_241 = tpu.memref_slice %arg9[%dma_wait3A_240] : memref<16384xf32, #tpu.memory_space<vmem>> -> memref<8192xf32, #tpu.memory_space<vmem>>
        %dma_wait3A_242 = tpu.memref_slice %arg4[%add3A_239] : memref<67108864xf32, #tpu.memory_space<hbm>> -> memref<8192xf32, #tpu.memory_space<hbm>>
        %dma_wait3A_243 = tpu.memref_slice %arg4[%add3A_239] : memref<67108864xf32, #tpu.memory_space<hbm>> -> memref<8192xf32, #tpu.memory_space<hbm>>
        %dma_wait3A_244 = arith.constant 0 : i32
        %dma_wait3A_245 = tpu.memref_slice %arg9[%dma_wait3A_244] : memref<16384xf32, #tpu.memory_space<vmem>> -> memref<8192xf32, #tpu.memory_space<vmem>>
        tpu.wait_dma2 semaphore(%arg13 : memref<!tpu.dma_semaphore, #tpu.memory_space<semaphore_mem>>) src(%dma_wait3A_245 : memref<8192xf32, #tpu.memory_space<vmem>>) dst(%dma_wait3A_243 : memref<8192xf32, #tpu.memory_space<hbm>>)
        %sub3A_246 = arith.constant 2 : i32
        %sub3A_247 = arith.subi %add3A_122, %sub3A_246 : i32
        %mul3A_248 = arith.constant 2 : i32
        %mul3A_249 = arith.muli %select_n3A_9, %mul3A_248 : i32
        %add3A_250 = arith.constant 1 : i32
        %add3A_251 = arith.addi %mul3A_249, %add3A_250 : i32
        %mul3A_252 = arith.constant 8388608 : i32
        %mul3A_253 = arith.muli %add3A_251, %mul3A_252 : i32
        %add3A_254 = arith.addi %mul3A_253, %mul3A_32 : i32
        %mul3A_255 = arith.constant 8192 : i32
        %mul3A_256 = arith.muli %sub3A_247, %mul3A_255 : i32
        %add3A_257 = arith.addi %add3A_254, %mul3A_256 : i32
        %dma_wait3A_258 = arith.constant 8192 : i32
        %dma_wait3A_259 = tpu.memref_slice %arg9[%dma_wait3A_258] : memref<16384xf32, #tpu.memory_space<vmem>> -> memref<8192xf32, #tpu.memory_space<vmem>>
        %dma_wait3A_260 = tpu.memref_slice %arg4[%add3A_257] : memref<67108864xf32, #tpu.memory_space<hbm>> -> memref<8192xf32, #tpu.memory_space<hbm>>
        %dma_wait3A_261 = tpu.memref_slice %arg4[%add3A_257] : memref<67108864xf32, #tpu.memory_space<hbm>> -> memref<8192xf32, #tpu.memory_space<hbm>>
        %dma_wait3A_262 = arith.constant 8192 : i32
        %dma_wait3A_263 = tpu.memref_slice %arg9[%dma_wait3A_262] : memref<16384xf32, #tpu.memory_space<vmem>> -> memref<8192xf32, #tpu.memory_space<vmem>>
        tpu.wait_dma2 semaphore(%arg13 : memref<!tpu.dma_semaphore, #tpu.memory_space<semaphore_mem>>) src(%dma_wait3A_263 : memref<8192xf32, #tpu.memory_space<vmem>>) dst(%dma_wait3A_261 : memref<8192xf32, #tpu.memory_space<hbm>>)
      } else {
      }
      %parallel_loop3A = arith.constant 0 : i32
      %parallel_loop3A_130 = arith.constant 512 : i32
      %parallel_loop3A_131 = arith.constant 1 : i32
      scf.for %parallel_loop3A_228 = %parallel_loop3A to %parallel_loop3A_130 step %parallel_loop3A_131  : i32 {
        %parallel_loop3A_229 = arith.constant 16 : i32
        %parallel_loop3A_230 = arith.muli %parallel_loop3A_228, %parallel_loop3A_229 : i32
        %parallel_loop3A_231 = arith.index_cast %parallel_loop3A_230 : i32 to index
        %parallel_loop3A_232 = tpu.vector_load %arg7[%parallel_loop3A_231] {strides = array<i32>} : memref<8192xf32, #tpu.memory_space<vmem>>, vector<16xf32>,
        %parallel_loop3A_233 = arith.fptosi %parallel_loop3A_232 : vector<16xf32> to vector<16xi32>
        %parallel_loop3A_234 = arith.sitofp %parallel_loop3A_233 : vector<16xi32> to vector<16xf32>
        %parallel_loop3A_235 = arith.subf %parallel_loop3A_232, %parallel_loop3A_234 : vector<16xf32>
        %parallel_loop3A_236 = tpu.vector_load_idx %arg5[%parallel_loop3A_233] : memref<32768xi32, #tpu.memory_space<vmem>>[vector<16xi32>], vector<16xi32>,
        %parallel_loop3A_237 = arith.constant 16 : i32
        %parallel_loop3A_238 = vector.broadcast %parallel_loop3A_237 : i32 to vector<16xi32>
        %parallel_loop3A_239 = arith.shli %parallel_loop3A_236, %parallel_loop3A_238 : vector<16xi32>
        %parallel_loop3A_240 = vector.bitcast %parallel_loop3A_239 : vector<16xi32> to vector<16xf32>
        %parallel_loop3A_241 = vector.bitcast %parallel_loop3A_236 : vector<16xi32> to vector<16xf32>
        %parallel_loop3A_242 = arith.mulf %parallel_loop3A_235, %parallel_loop3A_241 : vector<16xf32>
        %parallel_loop3A_243 = arith.addf %parallel_loop3A_240, %parallel_loop3A_242 : vector<16xf32>
        %parallel_loop3A_244 = arith.constant 16 : i32
        %parallel_loop3A_245 = arith.muli %parallel_loop3A_228, %parallel_loop3A_244 : i32
        %parallel_loop3A_246 = arith.constant 0 : i32
        %parallel_loop3A_247 = arith.addi %parallel_loop3A_246, %parallel_loop3A_245 : i32
        %parallel_loop3A_248 = arith.index_cast %parallel_loop3A_247 : i32 to index
        %parallel_loop3A_249 = tpu.vector_load %arg9[%parallel_loop3A_248] {strides = array<i32>} : memref<16384xf32, #tpu.memory_space<vmem>>, vector<16xf32>,
        tpu.vector_store %arg9[%parallel_loop3A_248], %parallel_loop3A_243 {strides = array<i32>} : memref<16384xf32, #tpu.memory_space<vmem>>, vector<16xf32>,
        %parallel_loop3A_250 = tpu.vector_load_idx %arg6[%parallel_loop3A_233] : memref<32768xi32, #tpu.memory_space<vmem>>[vector<16xi32>], vector<16xi32>,
        %parallel_loop3A_251 = arith.constant 16 : i32
        %parallel_loop3A_252 = vector.broadcast %parallel_loop3A_251 : i32 to vector<16xi32>
        %parallel_loop3A_253 = arith.shli %parallel_loop3A_250, %parallel_loop3A_252 : vector<16xi32>
        %parallel_loop3A_254 = vector.bitcast %parallel_loop3A_253 : vector<16xi32> to vector<16xf32>
        %parallel_loop3A_255 = vector.bitcast %parallel_loop3A_250 : vector<16xi32> to vector<16xf32>
        %parallel_loop3A_256 = arith.mulf %parallel_loop3A_235, %parallel_loop3A_255 : vector<16xf32>
        %parallel_loop3A_257 = arith.addf %parallel_loop3A_254, %parallel_loop3A_256 : vector<16xf32>
        %parallel_loop3A_258 = arith.constant 16 : i32
        %parallel_loop3A_259 = arith.muli %parallel_loop3A_228, %parallel_loop3A_258 : i32
        %parallel_loop3A_260 = arith.constant 8192 : i32
        %parallel_loop3A_261 = arith.addi %parallel_loop3A_260, %parallel_loop3A_259 : i32
        %parallel_loop3A_262 = arith.index_cast %parallel_loop3A_261 : i32 to index
        %parallel_loop3A_263 = tpu.vector_load %arg9[%parallel_loop3A_262] {strides = array<i32>} : memref<16384xf32, #tpu.memory_space<vmem>>, vector<16xf32>,
        tpu.vector_store %arg9[%parallel_loop3A_262], %parallel_loop3A_257 {strides = array<i32>} : memref<16384xf32, #tpu.memory_space<vmem>>, vector<16xf32>,
      } {sc.loop_unroll_factor = 6 : i64, sc.parallel_access}
      %mul3A_132 = arith.constant 2 : i32
      %mul3A_133 = arith.muli %select_n3A_9, %mul3A_132 : i32
      %add3A_134 = arith.constant 0 : i32
      %add3A_135 = arith.addi %mul3A_133, %add3A_134 : i32
      %mul3A_136 = arith.constant 8388608 : i32
      %mul3A_137 = arith.muli %add3A_135, %mul3A_136 : i32
      %add3A_138 = arith.addi %mul3A_137, %mul3A_32 : i32
      %mul3A_139 = arith.constant 8192 : i32
      %mul3A_140 = arith.muli %add3A_122, %mul3A_139 : i32
      %add3A_141 = arith.addi %add3A_138, %mul3A_140 : i32
      %dma_start3A_142 = arith.constant 0 : i32
      %dma_start3A_143 = tpu.memref_slice %arg9[%dma_start3A_142] : memref<16384xf32, #tpu.memory_space<vmem>> -> memref<8192xf32, #tpu.memory_space<vmem>>
      %dma_start3A_144 = tpu.memref_slice %arg4[%add3A_141] : memref<67108864xf32, #tpu.memory_space<hbm>> -> memref<8192xf32, #tpu.memory_space<hbm>>
      %dma_start3A_145 = tpu.memref_slice %arg4[%add3A_141] : memref<67108864xf32, #tpu.memory_space<hbm>> -> memref<8192xf32, #tpu.memory_space<hbm>>
      %dma_start3A_146 = arith.constant 0 : i32
      %dma_start3A_147 = tpu.memref_slice %arg9[%dma_start3A_146] : memref<16384xf32, #tpu.memory_space<vmem>> -> memref<8192xf32, #tpu.memory_space<vmem>>
      tpu.enqueue_dma source(%dma_start3A_147 : memref<8192xf32, #tpu.memory_space<vmem>>) target(%dma_start3A_145 : memref<8192xf32, #tpu.memory_space<hbm>>) target_semaphore(%arg13 : memref<!tpu.dma_semaphore, #tpu.memory_space<semaphore_mem>>)
      %mul3A_148 = arith.constant 2 : i32
      %mul3A_149 = arith.muli %select_n3A_9, %mul3A_148 : i32
      %add3A_150 = arith.constant 1 : i32
      %add3A_151 = arith.addi %mul3A_149, %add3A_150 : i32
      %mul3A_152 = arith.constant 8388608 : i32
      %mul3A_153 = arith.muli %add3A_151, %mul3A_152 : i32
      %add3A_154 = arith.addi %mul3A_153, %mul3A_32 : i32
      %mul3A_155 = arith.constant 8192 : i32
      %mul3A_156 = arith.muli %add3A_122, %mul3A_155 : i32
      %add3A_157 = arith.addi %add3A_154, %mul3A_156 : i32
      %dma_start3A_158 = arith.constant 8192 : i32
      %dma_start3A_159 = tpu.memref_slice %arg9[%dma_start3A_158] : memref<16384xf32, #tpu.memory_space<vmem>> -> memref<8192xf32, #tpu.memory_space<vmem>>
      %dma_start3A_160 = tpu.memref_slice %arg4[%add3A_157] : memref<67108864xf32, #tpu.memory_space<hbm>> -> memref<8192xf32, #tpu.memory_space<hbm>>
      %dma_start3A_161 = tpu.memref_slice %arg4[%add3A_157] : memref<67108864xf32, #tpu.memory_space<hbm>> -> memref<8192xf32, #tpu.memory_space<hbm>>
      %dma_start3A_162 = arith.constant 8192 : i32
      %dma_start3A_163 = tpu.memref_slice %arg9[%dma_start3A_162] : memref<16384xf32, #tpu.memory_space<vmem>> -> memref<8192xf32, #tpu.memory_space<vmem>>
      tpu.enqueue_dma source(%dma_start3A_163 : memref<8192xf32, #tpu.memory_space<vmem>>) target(%dma_start3A_161 : memref<8192xf32, #tpu.memory_space<hbm>>) target_semaphore(%arg13 : memref<!tpu.dma_semaphore, #tpu.memory_space<semaphore_mem>>)
      %add3A_164 = arith.constant 2 : i32
      %add3A_165 = arith.addi %add3A_122, %add3A_164 : i32
      %lt3A_166 = arith.constant 128 : i32
      %lt3A_167 = arith.cmpi slt, %add3A_165, %lt3A_166 : i32
      %convert_element_type3A_168 = arith.extui %lt3A_167 : i1 to i32
      %cond3A_169 = arith.constant 0 : i32
      %cond3A_170 = arith.cmpi ne, %convert_element_type3A_168, %cond3A_169 : i32
      scf.if %cond3A_170 {
        %add3A_228 = arith.constant 2 : i32
        %add3A_229 = arith.addi %add3A_122, %add3A_228 : i32
        %mul3A_230 = arith.constant 8192 : i32
        %mul3A_231 = arith.muli %add3A_229, %mul3A_230 : i32
        %add3A_232 = arith.addi %mul3A_32, %mul3A_231 : i32
        %dma_start3A_233 = tpu.memref_slice %arg3[%add3A_232] : memref<8388608xf32, #tpu.memory_space<hbm>> -> memref<8192xf32, #tpu.memory_space<hbm>>
        %dma_start3A_234 = tpu.memref_slice %arg3[%add3A_232] : memref<8388608xf32, #tpu.memory_space<hbm>> -> memref<8192xf32, #tpu.memory_space<hbm>>
        tpu.enqueue_dma source(%dma_start3A_234 : memref<8192xf32, #tpu.memory_space<hbm>>) target(%arg7 : memref<8192xf32, #tpu.memory_space<vmem>>) target_semaphore(%arg11 : memref<!tpu.dma_semaphore, #tpu.memory_space<semaphore_mem>>)
      } else {
      }
      %mul3A_171 = arith.constant 2 : i32
      %mul3A_172 = arith.muli %scan3A_117, %mul3A_171 : i32
      %add3A_173 = arith.constant 1 : i32
      %add3A_174 = arith.addi %mul3A_172, %add3A_173 : i32
      %mul3A_175 = arith.constant 8192 : i32
      %mul3A_176 = arith.muli %add3A_174, %mul3A_175 : i32
      %add3A_177 = arith.addi %mul3A_32, %mul3A_176 : i32
      %dma_wait3A_178 = tpu.memref_slice %arg3[%add3A_177] : memref<8388608xf32, #tpu.memory_space<hbm>> -> memref<8192xf32, #tpu.memory_space<hbm>>
      %dma_wait3A_179 = tpu.memref_slice %arg3[%add3A_177] : memref<8388608xf32, #tpu.memory_space<hbm>> -> memref<8192xf32, #tpu.memory_space<hbm>>
      tpu.wait_dma2 semaphore(%arg12 : memref<!tpu.dma_semaphore, #tpu.memory_space<semaphore_mem>>) src(%dma_wait3A_179 : memref<8192xf32, #tpu.memory_space<hbm>>) dst(%arg8 : memref<8192xf32, #tpu.memory_space<vmem>>)
      %ge3A_180 = arith.constant 2 : i32
      %ge3A_181 = arith.cmpi sge, %add3A_174, %ge3A_180 : i32
      %convert_element_type3A_182 = arith.extui %ge3A_181 : i1 to i32
      %cond3A_183 = arith.constant 0 : i32
      %cond3A_184 = arith.cmpi ne, %convert_element_type3A_182, %cond3A_183 : i32
      scf.if %cond3A_184 {
        %sub3A_228 = arith.constant 2 : i32
        %sub3A_229 = arith.subi %add3A_174, %sub3A_228 : i32
        %mul3A_230 = arith.constant 2 : i32
        %mul3A_231 = arith.muli %select_n3A_9, %mul3A_230 : i32
        %add3A_232 = arith.constant 0 : i32
        %add3A_233 = arith.addi %mul3A_231, %add3A_232 : i32
        %mul3A_234 = arith.constant 8388608 : i32
        %mul3A_235 = arith.muli %add3A_233, %mul3A_234 : i32
        %add3A_236 = arith.addi %mul3A_235, %mul3A_32 : i32
        %mul3A_237 = arith.constant 8192 : i32
        %mul3A_238 = arith.muli %sub3A_229, %mul3A_237 : i32
        %add3A_239 = arith.addi %add3A_236, %mul3A_238 : i32
        %dma_wait3A_240 = arith.constant 0 : i32
        %dma_wait3A_241 = tpu.memref_slice %arg10[%dma_wait3A_240] : memref<16384xf32, #tpu.memory_space<vmem>> -> memref<8192xf32, #tpu.memory_space<vmem>>
        %dma_wait3A_242 = tpu.memref_slice %arg4[%add3A_239] : memref<67108864xf32, #tpu.memory_space<hbm>> -> memref<8192xf32, #tpu.memory_space<hbm>>
        %dma_wait3A_243 = tpu.memref_slice %arg4[%add3A_239] : memref<67108864xf32, #tpu.memory_space<hbm>> -> memref<8192xf32, #tpu.memory_space<hbm>>
        %dma_wait3A_244 = arith.constant 0 : i32
        %dma_wait3A_245 = tpu.memref_slice %arg10[%dma_wait3A_244] : memref<16384xf32, #tpu.memory_space<vmem>> -> memref<8192xf32, #tpu.memory_space<vmem>>
        tpu.wait_dma2 semaphore(%arg14 : memref<!tpu.dma_semaphore, #tpu.memory_space<semaphore_mem>>) src(%dma_wait3A_245 : memref<8192xf32, #tpu.memory_space<vmem>>) dst(%dma_wait3A_243 : memref<8192xf32, #tpu.memory_space<hbm>>)
        %sub3A_246 = arith.constant 2 : i32
        %sub3A_247 = arith.subi %add3A_174, %sub3A_246 : i32
        %mul3A_248 = arith.constant 2 : i32
        %mul3A_249 = arith.muli %select_n3A_9, %mul3A_248 : i32
        %add3A_250 = arith.constant 1 : i32
        %add3A_251 = arith.addi %mul3A_249, %add3A_250 : i32
        %mul3A_252 = arith.constant 8388608 : i32
        %mul3A_253 = arith.muli %add3A_251, %mul3A_252 : i32
        %add3A_254 = arith.addi %mul3A_253, %mul3A_32 : i32
        %mul3A_255 = arith.constant 8192 : i32
        %mul3A_256 = arith.muli %sub3A_247, %mul3A_255 : i32
        %add3A_257 = arith.addi %add3A_254, %mul3A_256 : i32
        %dma_wait3A_258 = arith.constant 8192 : i32
        %dma_wait3A_259 = tpu.memref_slice %arg10[%dma_wait3A_258] : memref<16384xf32, #tpu.memory_space<vmem>> -> memref<8192xf32, #tpu.memory_space<vmem>>
        %dma_wait3A_260 = tpu.memref_slice %arg4[%add3A_257] : memref<67108864xf32, #tpu.memory_space<hbm>> -> memref<8192xf32, #tpu.memory_space<hbm>>
        %dma_wait3A_261 = tpu.memref_slice %arg4[%add3A_257] : memref<67108864xf32, #tpu.memory_space<hbm>> -> memref<8192xf32, #tpu.memory_space<hbm>>
        %dma_wait3A_262 = arith.constant 8192 : i32
        %dma_wait3A_263 = tpu.memref_slice %arg10[%dma_wait3A_262] : memref<16384xf32, #tpu.memory_space<vmem>> -> memref<8192xf32, #tpu.memory_space<vmem>>
        tpu.wait_dma2 semaphore(%arg14 : memref<!tpu.dma_semaphore, #tpu.memory_space<semaphore_mem>>) src(%dma_wait3A_263 : memref<8192xf32, #tpu.memory_space<vmem>>) dst(%dma_wait3A_261 : memref<8192xf32, #tpu.memory_space<hbm>>)
      } else {
      }
      %parallel_loop3A_185 = arith.constant 0 : i32
      %parallel_loop3A_186 = arith.constant 512 : i32
      %parallel_loop3A_187 = arith.constant 1 : i32
      scf.for %parallel_loop3A_228 = %parallel_loop3A_185 to %parallel_loop3A_186 step %parallel_loop3A_187  : i32 {
        %parallel_loop3A_229 = arith.constant 16 : i32
        %parallel_loop3A_230 = arith.muli %parallel_loop3A_228, %parallel_loop3A_229 : i32
        %parallel_loop3A_231 = arith.index_cast %parallel_loop3A_230 : i32 to index
        %parallel_loop3A_232 = tpu.vector_load %arg8[%parallel_loop3A_231] {strides = array<i32>} : memref<8192xf32, #tpu.memory_space<vmem>>, vector<16xf32>,
        %parallel_loop3A_233 = arith.fptosi %parallel_loop3A_232 : vector<16xf32> to vector<16xi32>
        %parallel_loop3A_234 = arith.sitofp %parallel_loop3A_233 : vector<16xi32> to vector<16xf32>
        %parallel_loop3A_235 = arith.subf %parallel_loop3A_232, %parallel_loop3A_234 : vector<16xf32>
        %parallel_loop3A_236 = tpu.vector_load_idx %arg5[%parallel_loop3A_233] : memref<32768xi32, #tpu.memory_space<vmem>>[vector<16xi32>], vector<16xi32>,
        %parallel_loop3A_237 = arith.constant 16 : i32
        %parallel_loop3A_238 = vector.broadcast %parallel_loop3A_237 : i32 to vector<16xi32>
        %parallel_loop3A_239 = arith.shli %parallel_loop3A_236, %parallel_loop3A_238 : vector<16xi32>
        %parallel_loop3A_240 = vector.bitcast %parallel_loop3A_239 : vector<16xi32> to vector<16xf32>
        %parallel_loop3A_241 = vector.bitcast %parallel_loop3A_236 : vector<16xi32> to vector<16xf32>
        %parallel_loop3A_242 = arith.mulf %parallel_loop3A_235, %parallel_loop3A_241 : vector<16xf32>
        %parallel_loop3A_243 = arith.addf %parallel_loop3A_240, %parallel_loop3A_242 : vector<16xf32>
        %parallel_loop3A_244 = arith.constant 16 : i32
        %parallel_loop3A_245 = arith.muli %parallel_loop3A_228, %parallel_loop3A_244 : i32
        %parallel_loop3A_246 = arith.constant 0 : i32
        %parallel_loop3A_247 = arith.addi %parallel_loop3A_246, %parallel_loop3A_245 : i32
        %parallel_loop3A_248 = arith.index_cast %parallel_loop3A_247 : i32 to index
        %parallel_loop3A_249 = tpu.vector_load %arg10[%parallel_loop3A_248] {strides = array<i32>} : memref<16384xf32, #tpu.memory_space<vmem>>, vector<16xf32>,
        tpu.vector_store %arg10[%parallel_loop3A_248], %parallel_loop3A_243 {strides = array<i32>} : memref<16384xf32, #tpu.memory_space<vmem>>, vector<16xf32>,
        %parallel_loop3A_250 = tpu.vector_load_idx %arg6[%parallel_loop3A_233] : memref<32768xi32, #tpu.memory_space<vmem>>[vector<16xi32>], vector<16xi32>,
        %parallel_loop3A_251 = arith.constant 16 : i32
        %parallel_loop3A_252 = vector.broadcast %parallel_loop3A_251 : i32 to vector<16xi32>
        %parallel_loop3A_253 = arith.shli %parallel_loop3A_250, %parallel_loop3A_252 : vector<16xi32>
        %parallel_loop3A_254 = vector.bitcast %parallel_loop3A_253 : vector<16xi32> to vector<16xf32>
        %parallel_loop3A_255 = vector.bitcast %parallel_loop3A_250 : vector<16xi32> to vector<16xf32>
        %parallel_loop3A_256 = arith.mulf %parallel_loop3A_235, %parallel_loop3A_255 : vector<16xf32>
        %parallel_loop3A_257 = arith.addf %parallel_loop3A_254, %parallel_loop3A_256 : vector<16xf32>
        %parallel_loop3A_258 = arith.constant 16 : i32
        %parallel_loop3A_259 = arith.muli %parallel_loop3A_228, %parallel_loop3A_258 : i32
        %parallel_loop3A_260 = arith.constant 8192 : i32
        %parallel_loop3A_261 = arith.addi %parallel_loop3A_260, %parallel_loop3A_259 : i32
        %parallel_loop3A_262 = arith.index_cast %parallel_loop3A_261 : i32 to index
        %parallel_loop3A_263 = tpu.vector_load %arg10[%parallel_loop3A_262] {strides = array<i32>} : memref<16384xf32, #tpu.memory_space<vmem>>, vector<16xf32>,
        tpu.vector_store %arg10[%parallel_loop3A_262], %parallel_loop3A_257 {strides = array<i32>} : memref<16384xf32, #tpu.memory_space<vmem>>, vector<16xf32>,
      } {sc.loop_unroll_factor = 6 : i64, sc.parallel_access}
      %mul3A_188 = arith.constant 2 : i32
      %mul3A_189 = arith.muli %select_n3A_9, %mul3A_188 : i32
      %add3A_190 = arith.constant 0 : i32
      %add3A_191 = arith.addi %mul3A_189, %add3A_190 : i32
      %mul3A_192 = arith.constant 8388608 : i32
      %mul3A_193 = arith.muli %add3A_191, %mul3A_192 : i32
      %add3A_194 = arith.addi %mul3A_193, %mul3A_32 : i32
      %mul3A_195 = arith.constant 8192 : i32
      %mul3A_196 = arith.muli %add3A_174, %mul3A_195 : i32
      %add3A_197 = arith.addi %add3A_194, %mul3A_196 : i32
      %dma_start3A_198 = arith.constant 0 : i32
      %dma_start3A_199 = tpu.memref_slice %arg10[%dma_start3A_198] : memref<16384xf32, #tpu.memory_space<vmem>> -> memref<8192xf32, #tpu.memory_space<vmem>>
      %dma_start3A_200 = tpu.memref_slice %arg4[%add3A_197] : memref<67108864xf32, #tpu.memory_space<hbm>> -> memref<8192xf32, #tpu.memory_space<hbm>>
      %dma_start3A_201 = tpu.memref_slice %arg4[%add3A_197] : memref<67108864xf32, #tpu.memory_space<hbm>> -> memref<8192xf32, #tpu.memory_space<hbm>>
      %dma_start3A_202 = arith.constant 0 : i32
      %dma_start3A_203 = tpu.memref_slice %arg10[%dma_start3A_202] : memref<16384xf32, #tpu.memory_space<vmem>> -> memref<8192xf32, #tpu.memory_space<vmem>>
      tpu.enqueue_dma source(%dma_start3A_203 : memref<8192xf32, #tpu.memory_space<vmem>>) target(%dma_start3A_201 : memref<8192xf32, #tpu.memory_space<hbm>>) target_semaphore(%arg14 : memref<!tpu.dma_semaphore, #tpu.memory_space<semaphore_mem>>)
      %mul3A_204 = arith.constant 2 : i32
      %mul3A_205 = arith.muli %select_n3A_9, %mul3A_204 : i32
      %add3A_206 = arith.constant 1 : i32
      %add3A_207 = arith.addi %mul3A_205, %add3A_206 : i32
      %mul3A_208 = arith.constant 8388608 : i32
      %mul3A_209 = arith.muli %add3A_207, %mul3A_208 : i32
      %add3A_210 = arith.addi %mul3A_209, %mul3A_32 : i32
      %mul3A_211 = arith.constant 8192 : i32
      %mul3A_212 = arith.muli %add3A_174, %mul3A_211 : i32
      %add3A_213 = arith.addi %add3A_210, %mul3A_212 : i32
      %dma_start3A_214 = arith.constant 8192 : i32
      %dma_start3A_215 = tpu.memref_slice %arg10[%dma_start3A_214] : memref<16384xf32, #tpu.memory_space<vmem>> -> memref<8192xf32, #tpu.memory_space<vmem>>
      %dma_start3A_216 = tpu.memref_slice %arg4[%add3A_213] : memref<67108864xf32, #tpu.memory_space<hbm>> -> memref<8192xf32, #tpu.memory_space<hbm>>
      %dma_start3A_217 = tpu.memref_slice %arg4[%add3A_213] : memref<67108864xf32, #tpu.memory_space<hbm>> -> memref<8192xf32, #tpu.memory_space<hbm>>
      %dma_start3A_218 = arith.constant 8192 : i32
      %dma_start3A_219 = tpu.memref_slice %arg10[%dma_start3A_218] : memref<16384xf32, #tpu.memory_space<vmem>> -> memref<8192xf32, #tpu.memory_space<vmem>>
      tpu.enqueue_dma source(%dma_start3A_219 : memref<8192xf32, #tpu.memory_space<vmem>>) target(%dma_start3A_217 : memref<8192xf32, #tpu.memory_space<hbm>>) target_semaphore(%arg14 : memref<!tpu.dma_semaphore, #tpu.memory_space<semaphore_mem>>)
      %add3A_220 = arith.constant 2 : i32
      %add3A_221 = arith.addi %add3A_174, %add3A_220 : i32
      %lt3A_222 = arith.constant 128 : i32
      %lt3A_223 = arith.cmpi slt, %add3A_221, %lt3A_222 : i32
      %convert_element_type3A_224 = arith.extui %lt3A_223 : i1 to i32
      %cond3A_225 = arith.constant 0 : i32
      %cond3A_226 = arith.cmpi ne, %convert_element_type3A_224, %cond3A_225 : i32
      scf.if %cond3A_226 {
        %add3A_228 = arith.constant 2 : i32
        %add3A_229 = arith.addi %add3A_174, %add3A_228 : i32
        %mul3A_230 = arith.constant 8192 : i32
        %mul3A_231 = arith.muli %add3A_229, %mul3A_230 : i32
        %add3A_232 = arith.addi %mul3A_32, %mul3A_231 : i32
        %dma_start3A_233 = tpu.memref_slice %arg3[%add3A_232] : memref<8388608xf32, #tpu.memory_space<hbm>> -> memref<8192xf32, #tpu.memory_space<hbm>>
        %dma_start3A_234 = tpu.memref_slice %arg3[%add3A_232] : memref<8388608xf32, #tpu.memory_space<hbm>> -> memref<8192xf32, #tpu.memory_space<hbm>>
        tpu.enqueue_dma source(%dma_start3A_234 : memref<8192xf32, #tpu.memory_space<hbm>>) target(%arg8 : memref<8192xf32, #tpu.memory_space<vmem>>) target_semaphore(%arg12 : memref<!tpu.dma_semaphore, #tpu.memory_space<semaphore_mem>>)
      } else {
      }
      %scan3A_227 = arith.constant 0 : i32
      scf.yield %scan3A_227 : i32
    }
    %scan3A_57 = arith.constant 64 : i32
    %mul3A_58 = arith.constant 2 : i32
    %mul3A_59 = arith.muli %select_n3A_9, %mul3A_58 : i32
    %add3A_60 = arith.constant 0 : i32
    %add3A_61 = arith.addi %mul3A_59, %add3A_60 : i32
    %mul3A_62 = arith.constant 8388608 : i32
    %mul3A_63 = arith.muli %add3A_61, %mul3A_62 : i32
    %add3A_64 = arith.addi %mul3A_63, %mul3A_32 : i32
    %add3A_65 = arith.constant 1032192 : i32
    %add3A_66 = arith.addi %add3A_64, %add3A_65 : i32
    %dma_wait3A = arith.constant 0 : i32
    %dma_wait3A_67 = tpu.memref_slice %arg9[%dma_wait3A] : memref<16384xf32, #tpu.memory_space<vmem>> -> memref<8192xf32, #tpu.memory_space<vmem>>
    %dma_wait3A_68 = tpu.memref_slice %arg4[%add3A_66] : memref<67108864xf32, #tpu.memory_space<hbm>> -> memref<8192xf32, #tpu.memory_space<hbm>>
    %dma_wait3A_69 = tpu.memref_slice %arg4[%add3A_66] : memref<67108864xf32, #tpu.memory_space<hbm>> -> memref<8192xf32, #tpu.memory_space<hbm>>
    %dma_wait3A_70 = arith.constant 0 : i32
    %dma_wait3A_71 = tpu.memref_slice %arg9[%dma_wait3A_70] : memref<16384xf32, #tpu.memory_space<vmem>> -> memref<8192xf32, #tpu.memory_space<vmem>>
    tpu.wait_dma2 semaphore(%arg13 : memref<!tpu.dma_semaphore, #tpu.memory_space<semaphore_mem>>) src(%dma_wait3A_71 : memref<8192xf32, #tpu.memory_space<vmem>>) dst(%dma_wait3A_69 : memref<8192xf32, #tpu.memory_space<hbm>>)
    %mul3A_72 = arith.constant 2 : i32
    %mul3A_73 = arith.muli %select_n3A_9, %mul3A_72 : i32
    %add3A_74 = arith.constant 1 : i32
    %add3A_75 = arith.addi %mul3A_73, %add3A_74 : i32
    %mul3A_76 = arith.constant 8388608 : i32
    %mul3A_77 = arith.muli %add3A_75, %mul3A_76 : i32
    %add3A_78 = arith.addi %mul3A_77, %mul3A_32 : i32
    %add3A_79 = arith.constant 1032192 : i32
    %add3A_80 = arith.addi %add3A_78, %add3A_79 : i32
    %dma_wait3A_81 = arith.constant 8192 : i32
    %dma_wait3A_82 = tpu.memref_slice %arg9[%dma_wait3A_81] : memref<16384xf32, #tpu.memory_space<vmem>> -> memref<8192xf32, #tpu.memory_space<vmem>>
    %dma_wait3A_83 = tpu.memref_slice %arg4[%add3A_80] : memref<67108864xf32, #tpu.memory_space<hbm>> -> memref<8192xf32, #tpu.memory_space<hbm>>
    %dma_wait3A_84 = tpu.memref_slice %arg4[%add3A_80] : memref<67108864xf32, #tpu.memory_space<hbm>> -> memref<8192xf32, #tpu.memory_space<hbm>>
    %dma_wait3A_85 = arith.constant 8192 : i32
    %dma_wait3A_86 = tpu.memref_slice %arg9[%dma_wait3A_85] : memref<16384xf32, #tpu.memory_space<vmem>> -> memref<8192xf32, #tpu.memory_space<vmem>>
    tpu.wait_dma2 semaphore(%arg13 : memref<!tpu.dma_semaphore, #tpu.memory_space<semaphore_mem>>) src(%dma_wait3A_86 : memref<8192xf32, #tpu.memory_space<vmem>>) dst(%dma_wait3A_84 : memref<8192xf32, #tpu.memory_space<hbm>>)
    %mul3A_87 = arith.constant 2 : i32
    %mul3A_88 = arith.muli %select_n3A_9, %mul3A_87 : i32
    %add3A_89 = arith.constant 0 : i32
    %add3A_90 = arith.addi %mul3A_88, %add3A_89 : i32
    %mul3A_91 = arith.constant 8388608 : i32
    %mul3A_92 = arith.muli %add3A_90, %mul3A_91 : i32
    %add3A_93 = arith.addi %mul3A_92, %mul3A_32 : i32
    %add3A_94 = arith.constant 1040384 : i32
    %add3A_95 = arith.addi %add3A_93, %add3A_94 : i32
    %dma_wait3A_96 = arith.constant 0 : i32
    %dma_wait3A_97 = tpu.memref_slice %arg10[%dma_wait3A_96] : memref<16384xf32, #tpu.memory_space<vmem>> -> memref<8192xf32, #tpu.memory_space<vmem>>
    %dma_wait3A_98 = tpu.memref_slice %arg4[%add3A_95] : memref<67108864xf32, #tpu.memory_space<hbm>> -> memref<8192xf32, #tpu.memory_space<hbm>>
    %dma_wait3A_99 = tpu.memref_slice %arg4[%add3A_95] : memref<67108864xf32, #tpu.memory_space<hbm>> -> memref<8192xf32, #tpu.memory_space<hbm>>
    %dma_wait3A_100 = arith.constant 0 : i32
    %dma_wait3A_101 = tpu.memref_slice %arg10[%dma_wait3A_100] : memref<16384xf32, #tpu.memory_space<vmem>> -> memref<8192xf32, #tpu.memory_space<vmem>>
    tpu.wait_dma2 semaphore(%arg14 : memref<!tpu.dma_semaphore, #tpu.memory_space<semaphore_mem>>) src(%dma_wait3A_101 : memref<8192xf32, #tpu.memory_space<vmem>>) dst(%dma_wait3A_99 : memref<8192xf32, #tpu.memory_space<hbm>>)
    %mul3A_102 = arith.constant 2 : i32
    %mul3A_103 = arith.muli %select_n3A_9, %mul3A_102 : i32
    %add3A_104 = arith.constant 1 : i32
    %add3A_105 = arith.addi %mul3A_103, %add3A_104 : i32
    %mul3A_106 = arith.constant 8388608 : i32
    %mul3A_107 = arith.muli %add3A_105, %mul3A_106 : i32
    %add3A_108 = arith.addi %mul3A_107, %mul3A_32 : i32
    %add3A_109 = arith.constant 1040384 : i32
    %add3A_110 = arith.addi %add3A_108, %add3A_109 : i32
    %dma_wait3A_111 = arith.constant 8192 : i32
    %dma_wait3A_112 = tpu.memref_slice %arg10[%dma_wait3A_111] : memref<16384xf32, #tpu.memory_space<vmem>> -> memref<8192xf32, #tpu.memory_space<vmem>>
    %dma_wait3A_113 = tpu.memref_slice %arg4[%add3A_110] : memref<67108864xf32, #tpu.memory_space<hbm>> -> memref<8192xf32, #tpu.memory_space<hbm>>
    %dma_wait3A_114 = tpu.memref_slice %arg4[%add3A_110] : memref<67108864xf32, #tpu.memory_space<hbm>> -> memref<8192xf32, #tpu.memory_space<hbm>>
    %dma_wait3A_115 = arith.constant 8192 : i32
    %dma_wait3A_116 = tpu.memref_slice %arg10[%dma_wait3A_115] : memref<16384xf32, #tpu.memory_space<vmem>> -> memref<8192xf32, #tpu.memory_space<vmem>>
    tpu.wait_dma2 semaphore(%arg14 : memref<!tpu.dma_semaphore, #tpu.memory_space<semaphore_mem>>) src(%dma_wait3A_116 : memref<8192xf32, #tpu.memory_space<vmem>>) dst(%dma_wait3A_114 : memref<8192xf32, #tpu.memory_space<hbm>>)
    return
  }
}

module attributes {stable_mosaic.version = 14 : i64} {
  func.func @_pack_body(%arg0: memref<8x32768xf32, #tpu.memory_space<vmem>>, %arg1: memref<8x32768xi32, #tpu.memory_space<vmem>>) attributes {dimension_semantics = [], scalar_prefetch = 0 : i64, scratch_operands = 0 : i64, tpu.core_type = #tpu.core_type<tc>} {
    %get3A = arith.constant 0 : index
    %get3A_0 = arith.constant 0 : index
    %get3A_1 = vector.load %arg0[%get3A, %get3A_0] : memref<8x32768xf32, #tpu.memory_space<vmem>>, vector<8x32768xf32>
    %slice3A = vector.extract_strided_slice %get3A_1 {offsets = [0, 1], sizes = [8, 32767], strides = [1, 1]} : vector<8x32768xf32> to vector<8x32767xf32>
    %slice3A_2 = vector.extract_strided_slice %get3A_1 {offsets = [0, 32767], sizes = [8, 1], strides = [1, 1]} : vector<8x32768xf32> to vector<8x1xf32>
    %concatenate3A = tpu.concatenate %slice3A, %slice3A_2 in 1 : vector<8x32767xf32>, vector<8x1xf32> -> vector<8x32768xf32>
    %convert_element_type3A = arith.truncf %get3A_1 : vector<8x32768xf32> to vector<8x32768xbf16>
    %bitcast_convert_type3A = tpu.bitcast %convert_element_type3A : vector<8x32768xbf16> -> vector<8x32768xi16>
    %sub3A = arith.subf %concatenate3A, %get3A_1 : vector<8x32768xf32>
    %convert_element_type3A_3 = arith.truncf %sub3A : vector<8x32768xf32> to vector<8x32768xbf16>
    %bitcast_convert_type3A_4 = tpu.bitcast %convert_element_type3A_3 : vector<8x32768xbf16> -> vector<8x32768xi16>
    %convert_element_type3A_5 = arith.extui %bitcast_convert_type3A_4 : vector<8x32768xi16> to vector<8x32768xi32>
    %shift_left3A = arith.constant 16 : i32
    %shift_left3A_6 = vector.broadcast %shift_left3A : i32 to vector<8x32768xi32>
    %shift_left3A_7 = arith.shli %convert_element_type3A_5, %shift_left3A_6 : vector<8x32768xi32>
    %convert_element_type3A_8 = arith.extui %bitcast_convert_type3A : vector<8x32768xi16> to vector<8x32768xi32>
    %or3A = arith.ori %shift_left3A_7, %convert_element_type3A_8 : vector<8x32768xi32>
    %bitcast_convert_type3A_9 = tpu.bitcast %or3A : vector<8x32768xi32> -> vector<8x32768xi32>
    %swap3A = arith.constant 0 : index
    %swap3A_10 = arith.constant 0 : index
    %swap3A_11 = vector.load %arg1[%swap3A, %swap3A_10] : memref<8x32768xi32, #tpu.memory_space<vmem>>, vector<8x32768xi32>
    tpu.vector_store %arg1[%swap3A, %swap3A_10], %bitcast_convert_type3A_9 {strides = array<i32>} : memref<8x32768xi32, #tpu.memory_space<vmem>>, vector<8x32768xi32>,
    return
  }
}

</mosaic_0001>

<sc_bundles>
// kernel: kernel.4.cloned.1.call-start
scs
__scs_entry_jumppad:
0x0: {  	(pc) =	sbr.rel $0x88, $3  }
0x1: {  	(tag) =	ssettag $0x0;
	lr =	simm.s32 $0x1  }
0x2: {  	[smem:$0x3F9F] =	sst lr;
	_ =	strace $0xD0000000  }
0x3: {  	_ = 	snop  }
0x4: {  	_ = 	snop  }
0x5: {  	_ = 	snop  }
0x6: {  	_ = 	snop  }
0x7: {  	_ = 	snop  }
__scs_overlays_trampoline_lowered:
0x8: {  	[smem:$0x3FAE] =	sst s0  }
0x9: {  	[smem:$0x3FAF] =	sst s1  }
0xa: {  	[smem:$0x3FB0] =	sst s2  }
0xb: {  	[smem:$0x3FB1] =	sst s3  }
0xc: {  	[smem:$0x3FB2] =	sst s4  }
0xd: {  	[smem:$0x3FB3] =	sst s5  }
0xe: {  	[smem:$0x3FB4] =	sst s6  }
0xf: {  	[smem:$0x3FB5] =	sst s7  }
0x10: {  	[smem:$0x3FB6] =	sst s8  }
0x11: {  	[smem:$0x3FB7] =	sst s9;
	s0 =	simm.s32 @!p0 $0x0  }
0x12: {  	s1 =	sld [smem:$0x3F9D];
	s0 =	simm.s32 @p0 $0x1  }
0x13: {  	[smem:$0x3FB8] =	sst s0;
	s0 =	simm.s32 @!p1 $0x0  }
0x14: {  	s2 =	sld [smem:$0x3F9C];
	s0 =	simm.s32 @p1 $0x1  }
0x15: {  	[smem:$0x3FB9] =	sst s0;
	s0 =	simm.s32 @!p2 $0x0  }
0x16: {  	s3 =	sld [smem:$0x3FDB];
	s0 =	simm.s32 @p2 $0x1  }
0x17: {  	s4 =	simm.s32 $0x1BF5;
	[smem:$0x3FBB] =	sst s0  }
0x18: {  	s0 =	sld [smem:$0x3F9E];
	_ =	swait.ge [sflag:s4], $0x0  }
0x19: {  	s7 =	sld [smem:$0x3F9F]  }
0x1a: {  	s8 =	sadd.s32 $0xFFFFE003, lr  }
0x1b: {  	s9 =	sadd.s32 $0xFFFFFEF7, lr;
	s5 =	simm.s32 $0xFFFFFFFF;
	p2 =	slt.u32 s8, $0xFFFFF086  }
0x1c: {  	p1 =	slt.u32 s9, $0xF7A;
	s5 =	simm.s32 @!p2 $0x0  }
0x1d: {  	s5 =	simm.s32 @p1 $0x1;
	p0 =	seq.s32 s7, s2  }
0x1e: {  	s7 =	smul.u32 @!p0 $0xF7A, s2;
	p2 =	seq.s32 @!p0 s5, $0x0  }
0x1f: {  	s9 =	smul.u32 $0xF7A, s1;
	s8 =	simm.s32 @!p0 $0x1BF5;
	p2 =	por !p2, p0  }
0x20: {  	[sflag:s8] =	ssyncset.s32 @!p0 $0xFFFFF086;
	s6 =	sadd.s32 @!p0 s3, s7;
	s7 =	simm.s32 @!p0 $0x108  }
0x21: {  	s3 =	sadd.s32 s3, s9;
	s6 =	sadd.s32 @!p0 $0x88, s6;
	s7 =	simm.s32 @p2 $0x1082  }
0x22: {  	[simem:s7], [sflag:s8] =	dma.local @!p0 [hbm:s6], $0xF7A  }
0x23: {  	s9 =	sor.u32 $0xD0000000, s2;
	s6 =	simm.s32 $0x108;
	_ =	swait.ge @!p0 [sflag:s8], $0x0  }
0x24: {  	s3 =	sadd.s32 $0x88, s3;
	s6 =	simm.s32 @!p1 $0x1082;
	[sflag:s4] =	ssyncset.s32 $0xFFFFF086  }
0x25: {  	[simem:s6], [sflag:s4] =	dma.local [hbm:s3], $0xF7A  }
0x26: {  	[smem:$0x3F9F] =	sst s1;
	(tag) =	ssettag s2;
	_ =	strace s9  }
0x27: {  	s1 =	sld [smem:$0x3FAF]  }
0x28: {  	s2 =	sld [smem:$0x3FB0]  }
0x29: {  	s4 =	sld [smem:$0x3FB2]  }
0x2a: {  	p0 =	seq.s32 s5, $0x0;
	s5 =	sld [smem:$0x3FB3]  }
0x2b: {  	s6 =	sld [smem:$0x3FB4]  }
0x2c: {  	s7 =	sld [smem:$0x3FB5]  }
0x2d: {  	s3 =	simm.s32 $0x108;
	s8 =	sld [smem:$0x3FB6]  }
0x2e: {  	s3 =	simm.s32 @!p0 $0x1082;
	s9 =	sld [smem:$0x3FB7]  }
0x2f: {  	lr =	sadd.s32 s0, s3;
	s0 =	sld [smem:$0x3FAE]  }
0x30: {  	s3 =	sld [smem:$0x3FB1]  }
0x31: {  	[smem:$0x3FBA] =	sst s10  }
0x32: {  	s10 =	sld [smem:$0x3FB8];
	_ =	sdelay $0x3  }
0x33: {  	p0 =	seq.s32 s10, $0x1;
	s10 =	sld [smem:$0x3FBA];
	_ =	sdelay $0x3  }
0x34: {  	[smem:$0x3FBA] =	sst s10  }
0x35: {  	s10 =	sld [smem:$0x3FB9];
	_ =	sdelay $0x3  }
0x36: {  	p1 =	seq.s32 s10, $0x1;
	s10 =	sld [smem:$0x3FBA];
	_ =	sdelay $0x3  }
0x37: {  	[smem:$0x3FBA] =	sst s10  }
0x38: {  	s10 =	sld [smem:$0x3FBB]  }
0x39: {  	_ = 	snop;
	(pc) =	sbr.ind lr, $3  }
0x3a: {  	_ = 	snop  }
0x3b: {  	_ = 	snop  }
0x3c: {  	p2 =	seq.s32 s10, $0x1;
	s10 =	sld [smem:$0x3FBA]  }
0x3d: {  	_ =	shalt  }
0x3e: {  	_ =	shalt  }
0x3f: {  	_ =	shalt  }
0x40: {  	_ =	shalt  }
0x41: {  	_ =	shalt  }
0x42: {  	_ =	shalt  }
0x43: {  	_ =	shalt  }
0x44: {  	_ =	shalt  }
0x45: {  	_ =	shalt  }
0x46: {  	_ =	shalt  }
0x47: {  	_ =	shalt  }
0x48: {  	_ =	shalt  }
0x49: {  	_ =	shalt  }
0x4a: {  	_ =	shalt  }
0x4b: {  	_ =	shalt  }
0x4c: {  	_ =	shalt  }
0x4d: {  	_ =	shalt  }
0x4e: {  	_ =	shalt  }
0x4f: {  	_ =	shalt  }
0x50: {  	_ =	shalt  }
0x51: {  	_ =	shalt  }
0x52: {  	_ =	shalt  }
0x53: {  	_ =	shalt  }
0x54: {  	_ =	shalt  }
0x55: {  	_ =	shalt  }
0x56: {  	_ =	shalt  }
0x57: {  	_ =	shalt  }
0x58: {  	_ =	shalt  }
0x59: {  	_ =	shalt  }
0x5a: {  	_ =	shalt  }
0x5b: {  	_ =	shalt  }
0x5c: {  	_ =	shalt  }
0x5d: {  	_ =	shalt  }
0x5e: {  	_ =	shalt  }
0x5f: {  	_ =	shalt  }
0x60: {  	_ =	shalt  }
0x61: {  	_ =	shalt  }
0x62: {  	_ =	shalt  }
0x63: {  	_ =	shalt  }
0x64: {  	_ =	shalt  }
0x65: {  	_ =	shalt  }
0x66: {  	_ =	shalt  }
0x67: {  	_ =	shalt  }
0x68: {  	_ =	shalt  }
0x69: {  	_ =	shalt  }
0x6a: {  	_ =	shalt  }
0x6b: {  	_ =	shalt  }
0x6c: {  	_ =	shalt  }
0x6d: {  	_ =	shalt  }
0x6e: {  	_ =	shalt  }
0x6f: {  	_ =	shalt  }
0x70: {  	_ =	shalt  }
0x71: {  	_ =	shalt  }
0x72: {  	_ =	shalt  }
0x73: {  	_ =	shalt  }
0x74: {  	_ =	shalt  }
0x75: {  	_ =	shalt  }
0x76: {  	_ =	shalt  }
0x77: {  	_ =	shalt  }
0x78: {  	_ =	shalt  }
0x79: {  	_ =	shalt  }
0x7a: {  	_ =	shalt  }
0x7b: {  	_ =	shalt  }
0x7c: {  	_ =	shalt  }
0x7d: {  	_ =	shalt  }
0x7e: {  	_ =	shalt  }
0x7f: {  	_ =	shalt  }
0x80: {  	_ =	shalt  }
0x81: {  	_ =	shalt  }
0x82: {  	_ =	shalt  }
0x83: {  	_ =	shalt  }
0x84: {  	_ =	shalt  }
0x85: {  	_ =	shalt  }
0x86: {  	_ =	shalt  }
0x87: {  	_ =	shalt  }
.Lfunc_end0:
.L_simem_size_0:
called_computation_lowered:
.L_overlay_start_0:
0x88: {  	s2 =	sld [smem:$0x3FD9]  }
0x89: {  	s3 =	sld [smem:$0x3FFE];
	_ =	sdelay $0x1  }
0x8a: {  	s1 =	srdreg.scid  }
0x8b: {  	s0 =	sand.u32 $0x1, s1  }
0x8c: {  	s17 =	sshll.u32 s0, $0xA;
	s2 =	sadd.s32 s3, s2  }
0x8d: {  	s2 =	sadd.s32 s2, s17  }
0x8e: {  	[smem:$0x3FC6] =	sst s2  }
0x8f: {  	_ = 	snop  }
0x90: {  	s2 =	sld [smem:$0x3FC8]  }
0x91: {  	s18 =	sld [smem:$0x3FD0];
	(tm) =	ssettm $0x1  }
0x92: {  	s4 =	sld [smem:$0x3FFB];
	_ =	sdelay $0x3  }
0x93: {  	_ =	strace s4  }
0x94: {  	s4 =	sld [smem:$0x3FFC];
	_ =	sdelay $0x3  }
0x95: {  	_ =	strace s4  }
0x96: {  	s4 =	sld [smem:$0x3FFD];
	_ =	sdelay $0x3  }
0x97: {  	_ =	strace s4  }
0x98: {  	_ =	strace $0x8FFFFFFF  }
0x99: {  	s19 =	sld [smem:$0x3FDB];
	_ =	sdelay $0x1  }
0x9a: {  	s5 =	simm.s32 $_scs_section_size  }
0x9b: {  	s6 =	simm.s32 $_size__tile_overlayer_lowered;
	s7 =	simm.s32 $_tile_overlayer_lowered  }
0x9c: {  	s22 =	simm.s32 $0x1BFF;
	s21 =	sshll.u32 s7, $0x1;
	s4 =	sadd.s32 s5, s19  }
0x9d: {  	s8 =	simm.s32 $0x0;
	s20 =	sshll.u32 s6, $0x1;
	s6 =	sadd.s32 s21, s4  }
0x9e: {  	[timem:s8], [sflag:s22] =	dma.local [hbm:s6], s20  }
0x9f: {  	_ =	swait.ge [sflag:s22], s20  }
0xa0: {  	s5 =	ssub.s32 $0x0, s20;
	[sflag:s22] =	ssyncset.done $0x0  }
0xa1: {  	[sflag:s22] =	ssyncadd.s32 s5;
	_ =	sdelay $0x1  }
0xa2: {  	s23 =	simm.s32 $0x1B8B  }
0xa3: {  	_ =	swait.ge [sflag:s23], $0x1  }
0xa4: {  	[sflag:s23] =	ssyncset.done $0x0  }
0xa5: {  	s25 =	simm.s32 $0x1B8E;
	s24 =	sld [smem:$0x3FFE];
	[sflag:s23] =	ssyncadd.s32 $0xFFFFFFFF  }
0xa6: {  	s26 =	simm.s32 $execute0_lowered;
	[smem:$0x3FD2] =	sst s25  }
0xa7: {  	s6 =	sshll.u32 s26, $0x1;
	_ =	strace $0x80000046;
	[dreg:$0x1] =	wrdreg $0xFFFFFFFF  }
0xa8: {  	s28 =	simm.s32 $_size_execute0_lowered;
	s4 =	sadd.s32 s4, s6;
	[dreg:$0x0] =	wrdreg $0x0  }
0xa9: {  	s6 =	sshll.u32 s28, $0x1;
	[dreg:$0x2] =	wrdreg s4  }
0xaa: {  	[dreg:$0x3] =	wrdreg s6  }
0xab: {  	[dreg:$0x4] =	wrdreg $0xC0  }
0xac: {  	_ =	task [dreg:s8], $0x5FFFF  }
0xad: {  	[dreg:$0x1] =	wrdreg $0xFFFFFFFF  }
0xae: {  	[dreg:$0x0] =	wrdreg $0x60  }
0xaf: {  	[dreg:$0x2] =	wrdreg s24  }
0xb0: {  	[dreg:$0x3] =	wrdreg s2  }
0xb1: {  	[dreg:$0x4] =	wrdreg s18  }
0xb2: {  	[dreg:$0x5] =	wrdreg $0x9  }
0xb3: {  	_ =	task.clear_ibuf [dreg:s8], $0x6FFFF;
	_ =	strace $0x90000046  }
0xb4: {  	s29 =	simm.s32 $0x9;
	_ =	strace $0x80000048  }
0xb5: {  	_ =	swait.ge [sflag:s29], $0x1  }
0xb6: {  	[sflag:s29] =	ssyncadd.s32 $0xFFFFFFFF  }
0xb7: {  	_ =	strace $0x90000048  }
0xb8: {  	_ =	sfence  }
0xb9: {  	s30 =	sld [smem:$0x0];
	_ =	sdelay $0x2  }
0xba: {  	s31 =	sshll.u32 s1, $0xD;
	s1 =	sshrl.u32 s1, $0x2  }
0xbb: {  	s3 =	sand.u32 $0x4000, s31;
	s1 =	sadd.s32 s1, s30  }
0xbc: {  	s0 =	sor.u32 s3, s0;
	s1 =	sshll.u32 s1, $0x11  }
0xbd: {  	s0 =	sor.u32 s1, s0  }
0xbe: {  	s0 =	sadd.s32 $0x8F2B, s0  }
0xbf: {  	[sflag:s0] =	ssyncadd.remote.s32 $0x1  }
0xc0: {  	_ =	sfence.sel $0xFFFF  }
0xc1: {  	[dreg:$0x0] =	wrdreg $0xFFFFFFFF;
	(pc) =	sbr.abs _section_cstart, $3  }
0xc2: {  	[dreg:$0x1] =	wrdreg $0xFFFFFFFF  }
0xc3: {  	_ =	task.clear_ibuf [dreg:s8], $0x2FFFF;
	_ =	strace $0x9FFFFFFF  }
0xc4: {  	(tm) =	ssettm $0x7FFFFFFF  }
0xc5: {  	_ =	shalt  }
tec
execute0_lowered:
.L_overlay_start_1:
0x0: {  	(tag) =	ssettag $0x1  }
0x1: {  	s0 =	rddreg [dreg:$0x0]  }
0x2: {  	s1 =	rddreg [dreg:$0x1]  }
0x3: {  	s2 =	rddreg [dreg:$0x2];
	s4 =	simm.s32 $0x0  }
0x4: {  	s3 =	srdreg.scid;
	s8 =	stileid.u32;
	s14 =	simm.s32 $0x5  }
0x5: {  	s15 =	simm.s32 $0x8000;
	s17 =	simm.s32 $0x12000;
	s18 =	simm.s32 $0x1  }
0x6: {  	s19 =	simm.s32 $0x14000;
	s20 =	simm.s32 $0x16000;
	s21 =	simm.s32 $0x2  }
0x7: {  	s22 =	simm.s32 $0x18000;
	s23 =	simm.s32 $0x1A000;
	s24 =	simm.s32 $0x3  }
0x8: {  	[smem:$0x7FF] =	sst s4;
	s3 =	sand.u32 $0x1, s3;
	s5 =	sshll.u32 s8, $0x1  }
0x9: {  	s0 =	sadd.s32 $0x600, s0;
	s25 =	sshll.u32 s8, $0x13;
	s6 =	ssub.s32 $0x2, s3  }
0xa: {  	_ =	strace $0x80000047;
	s5 =	sand.u32 $0x2, s5;
	s7 =	sshrl.u32 s6, $0x1  }
0xb: {  	s3 =	sor.u32 s3, s5;
	s5 =	sand.u32 $0x700000, s25;
	s25 =	simm.s32 $0x4  }
0xc: {  	s6 =	ssub.s32 s6, s7;
	s9 =	sshllo.u32 s3, $0x1;
	s26 =	sshll.u32 s3, $0xD  }
0xd: {  	s10 =	sshrl.u32 s5, $0x3;
	s30 =	sshll.u32 s3, $0x18;
	s11 =	sor.u32 $0x4000, s5  }
.Ltmp0:
0xe: {  	s12 =	sor.u32 $0x6000, s5;
	s28 =	sshll.u32 s9, $0xC;
	(pc) =	sbr.rel .LBB2_1-.Ltmp0, $4  }
0xf: {  	s7 =	sadd.s32 s0, s26;
	s31 =	sshll.u32 s9, $0x17;
	s9 =	sor.u32 s5, s30  }
0x10: {  	[dreg:$0x4] =	wrdreg s7;
	s0 =	sadd.s32 s0, s28;
	s7 =	sadd.s32 s1, s10  }
0x11: {  	s13 =	smax.u32 s6, $0x1;
	[dreg:$0x5] =	wrdreg s0;
	s29 =	sadd.s32 $0x400, s7  }
0x12: {  	s26 =	simm.s32 $0x0;
	s10 =	sor.u32 s5, s31;
	[dreg:$0x6] =	wrdreg s29  }
.LBB2_12:
0x13: {  	_ =	swait.ge [sflag:s24], $0x2000  }
0x14: {  	[sflag:s24] =	ssyncset.done $0x0  }
0x15: {  	[sflag:s24] =	ssyncadd.s32 $0xFFFFE000  }
0x16: {  	_ =	swait.ge [sflag:s24], $0x2000  }
0x17: {  	[sflag:s24] =	ssyncset.done $0x0  }
0x18: {  	s26 =	sadd.s32 $0x1, s26;
	[sflag:s24] =	ssyncadd.s32 $0xFFFFE000  }
0x19: {  	p0 =	sne.s32 s26, s13;
	_ =	swait.ge [sflag:s25], $0x2000  }
.Ltmp1:
0x1a: {  	[sflag:s25] =	ssyncset.done $0x0;
	(pc) =	sbr.rel @!p0 .LBB2_13-.Ltmp1, $4  }
0x1b: {  	[sflag:s25] =	ssyncadd.s32 $0xFFFFE000  }
0x1c: {  	_ =	swait.ge [sflag:s25], $0x2000  }
0x1d: {  	[sflag:s25] =	ssyncset.done $0x0  }
0x1e: {  	[sflag:s25] =	ssyncadd.s32 $0xFFFFE000  }
.LBB2_1:
0x1f: {  	s0 =	rddreg [dreg:$0x4]  }
0x20: {  	[tilespmem:s4], [sflag:$0x5] =	stream.linear.gather [hbm4b:s0+s4], $0x8000, $0x38;
	[tilespmem:$0x1C000] =	vst v63  }
0x21: {  	_ =	swait.ge [sflag:s14], $0x8000  }
0x22: {  	[sflag:s14] =	ssyncset.done $0x0  }
0x23: {  	s29 =	rddreg [dreg:$0x5];
	[sflag:s14] =	ssyncadd.s32 $0xFFFF8000  }
0x24: {  	[tilespmem:s15], [sflag:$0x5] =	stream.linear.gather [hbm4b:s29+s4], $0x8000, $0x38;
	[tilespmem:$0x1C000] =	vst v63  }
0x25: {  	_ =	swait.ge [sflag:s14], $0x8000  }
0x26: {  	[sflag:s14] =	ssyncset.done $0x0  }
0x27: {  	s30 =	simm.s32 $0x10000;
	[sflag:s14] =	ssyncadd.s32 $0xFFFF8000  }
0x28: {  	[tilespmem:s30], [sflag:$0x1] =	stream.linear.gather [hbm4b:s7+s4], $0x2000, $0x38;
	[tilespmem:$0x1C000] =	vst v63  }
0x29: {  	s28 =	simm.s32 $0x0;
	s31 =	rddreg [dreg:$0x6]  }
0x2a: {  	[tilespmem:s17], [sflag:$0x2] =	stream.linear.gather [hbm4b:s31+s4], $0x2000, $0x38;
	[tilespmem:$0x1C000] =	vst v63  }
.LBB2_2:
0x2b: {  	_ =	swait.ge [sflag:s18], $0x2000  }
0x2c: {  	p0 =	seq.s32 s28, $0x0;
	[sflag:s18] =	ssyncset.done $0x0  }
0x2d: {  	s0 =	simm.s32 @!p0 $0x3;
	[sflag:s18] =	ssyncadd.s32 $0xFFFFE000  }
0x2e: {  	_ =	swait.ge @!p0 [sflag:s0], $0x2000  }
0x2f: {  	[sflag:s0] =	ssyncset.done @!p0 $0x0  }
0x30: {  	[sflag:s0] =	ssyncadd.s32 @!p0 $0xFFFFE000  }
0x31: {  	_ =	swait.ge @!p0 [sflag:s0], $0x2000  }
0x32: {  	[sflag:s0] =	ssyncset.done @!p0 $0x0  }
0x33: {  	s5 =	simm.s32 $0x10030;
	[sflag:s0] =	ssyncadd.s32 @!p0 $0xFFFFE000  }
0x34: {  	v0 =	vld [tilespmem:s5+$0x20]  }
0x35: {  	v2 =	vld [tilespmem:s5+$0xFFFFFFF0]  }
0x36: {  	v1 =	vld [tilespmem:s5+$0xFFFFFFE0]  }
0x37: {  	v3 =	vld [tilespmem:s5+$0x0]  }
0x38: {  	v4 =	vld [tilespmem:s5+$0x10]  }
0x39: {  	v6 =	vld [tilespmem:s5+$0xFFFFFFD0];
	v5 =	vtrunc.f32 v0  }
0x3a: {  	v8 =	vtrunc.f32 v2;
	v5 =	vcvt.f32.s32 v5  }
0x3b: {  	v7 =	vtrunc.f32 v1;
	v8 =	vcvt.f32.s32 v8  }
0x3c: {  	v9 =	vtrunc.f32 v3;
	v7 =	vcvt.f32.s32 v7  }
0x3d: {  	v9 =	vcvt.f32.s32 v9;
	v17 =	vcvt.s32.f32 v8  }
0x3e: {  	s3 =	simm.s32 $0x10090;
	v10 =	vtrunc.f32 v4;
	v11 =	vtrunc.f32 v6  }
0x3f: {  	s30 =	simm.s32 $0x0;
	v10 =	vcvt.f32.s32 v10;
	v20 =	vcvt.s32.f32 v9;
	v2 =	vsub.f32 v2, v17;
	v17 =	vld [tilespmem:s3+$0x20]  }
0x40: {  	v11 =	vcvt.f32.s32 v11;
	v12 =	vld.idx.msk [tilespmem:v5+s30+$0x0], $0xffff  }
0x41: {  	v13 =	vcvt.s32.f32 v5;
	v3 =	vsub.f32 v3, v20;
	v20 =	vld [tilespmem:s3+$0xFFFFFFE0]  }
0x42: {  	v14 =	vld.idx.msk [tilespmem:v7+s30+$0x0], $0xffff  }
0x43: {  	v0 =	vsub.f32 v0, v13;
	v15 =	vld.idx.msk [tilespmem:v8+s30+$0x0], $0xffff  }
0x44: {  	v13 =	vcvt.s32.f32 v7;
	v16 =	vld.idx.msk [tilespmem:v9+s30+$0x0], $0xffff  }
0x45: {  	v21 =	vcvt.s32.f32 v11;
	v18 =	vld.idx.msk [tilespmem:v10+s30+$0x0], $0xffff;
	v19 =	vmul.f32 v12, v0  }
0x46: {  	v1 =	vsub.f32 v1, v13;
	v13 =	vld.idx.msk [tilespmem:v11+s30+$0x0], $0xffff;
	v25 =	vtrunc.f32 v17;
	v12 =	vshll.u32 v12, $0x10  }
0x47: {  	v23 =	vld [tilespmem:s3+$0xFFFFFFF0];
	v27 =	vtrunc.f32 v20;
	v12 =	vadd.f32 v12, v19;
	v19 =	vcvt.s32.f32 v10  }
0x48: {  	s6 =	simm.s32 $0x14000;
	v26 =	vld [tilespmem:s3+$0xFFFFFFD0];
	v6 =	vsub.f32 v6, v21;
	v21 =	vmul.f32 v14, v1;
	v22 =	vmul.f32 v15, v2  }
0x49: {  	[tilespmem:s6+$0x50] =	vst v12;
	v4 =	vsub.f32 v4, v19;
	v12 =	vshll.u32 v14, $0x10;
	v14 =	vshll.u32 v15, $0x10;
	v19 =	vld [tilespmem:s3+$0x0]  }
0x4a: {  	v15 =	vmul.f32 v16, v3;
	v16 =	vshll.u32 v16, $0x10;
	v5 =	vld.idx.msk [tilespmem:v5+s15+$0x0], $0xffff;
	v12 =	vadd.f32 v12, v21  }
0x4b: {  	v24 =	vld [tilespmem:s3+$0x10];
	v14 =	vadd.f32 v14, v22;
	v22 =	vmul.f32 v13, v6;
	v21 =	vmul.f32 v18, v4  }
0x4c: {  	[tilespmem:s6+$0x10] =	vst v12;
	v12 =	vshll.u32 v13, $0x10;
	v13 =	vcvt.f32.s32 v25;
	v25 =	vtrunc.f32 v23  }
0x4d: {  	[tilespmem:s6+$0x20] =	vst v14;
	v14 =	vadd.f32 v16, v15;
	v12 =	vadd.f32 v12, v22;
	v22 =	vcvt.f32.s32 v27  }
0x4e: {  	v25 =	vcvt.f32.s32 v25;
	v15 =	vtrunc.f32 v19  }
0x4f: {  	v18 =	vshll.u32 v18, $0x10;
	v7 =	vld.idx.msk [tilespmem:v7+s15+$0x0], $0xffff;
	[tilespmem:s6+$0x30] =	vst v14;
	v14 =	vtrunc.f32 v26;
	v0 =	vmul.f32 v5, v0  }
0x50: {  	v16 =	vadd.f32 v18, v21;
	v8 =	vld.idx.msk [tilespmem:v8+s15+$0x0], $0xffff;
	[tilespmem:s6+$0x0] =	vst v12;
	v12 =	vcvt.f32.s32 v15;
	v15 =	vtrunc.f32 v24  }
0x51: {  	v5 =	vshll.u32 v5, $0x10;
	v9 =	vld.idx.msk [tilespmem:v9+s15+$0x0], $0xffff;
	v14 =	vcvt.f32.s32 v14;
	v21 =	vcvt.s32.f32 v25  }
0x52: {  	[tilespmem:s6+$0x40] =	vst v16;
	v11 =	vld.idx.msk [tilespmem:v11+s15+$0x0], $0xffff;
	v15 =	vcvt.f32.s32 v15;
	v5 =	vadd.f32 v5, v0;
	v0 =	vcvt.s32.f32 v22  }
0x53: {  	v10 =	vld.idx.msk [tilespmem:v10+s15+$0x0], $0xffff;
	v27 =	vcvt.s32.f32 v12;
	v30 =	vcvt.s32.f32 v14  }
0x54: {  	v21 =	vsub.f32 v23, v21;
	v18 =	vld.idx.msk [tilespmem:v13+s30+$0x0], $0xffff;
	v28 =	vshll.u32 v7, $0x10;
	v31 =	vsub.f32 v20, v0  }
0x55: {  	v29 =	vld.idx.msk [tilespmem:v22+s30+$0x0], $0xffff;
	v0 =	vcvt.s32.f32 v13;
	v27 =	vsub.f32 v19, v27;
	v19 =	vcvt.s32.f32 v15  }
0x56: {  	s8 =	simm.s32 $0x100F0;
	v16 =	vld.idx.msk [tilespmem:v25+s30+$0x0], $0xffff;
	v20 =	vsub.f32 v26, v30;
	v3 =	vmul.f32 v9, v3;
	v9 =	vshll.u32 v9, $0x10  }
0x57: {  	v61 =	vld [tilespmem:s8+$0x0];
	v17 =	vsub.f32 v17, v0;
	v6 =	vmul.f32 v11, v6;
	v0 =	vsub.f32 v24, v19  }
0x58: {  	v23 =	vld.idx.msk [tilespmem:v12+s30+$0x0], $0xffff;
	v19 =	vmul.f32 v7, v1;
	v24 =	vmul.f32 v8, v2;
	v11 =	vshll.u32 v11, $0x10  }
0x59: {  	v8 =	vshll.u32 v8, $0x10;
	v36 =	vshll.u32 v10, $0x10;
	v1 =	vld.idx.msk [tilespmem:v15+s30+$0x0], $0xffff;
	v2 =	vmul.f32 v18, v17  }
0x5a: {  	v7 =	vld.idx.msk [tilespmem:v14+s30+$0x0], $0xffff;
	v18 =	vshll.u32 v18, $0x10;
	v26 =	vshll.u32 v29, $0x10;
	v29 =	vmul.f32 v29, v31  }
0x5b: {  	v30 =	vld [tilespmem:s8+$0x20];
	v32 =	vshll.u32 v16, $0x10;
	v16 =	vmul.f32 v16, v21;
	v2 =	vadd.f32 v18, v2  }
0x5c: {  	s31 =	simm.s32 $0x14060;
	v9 =	vadd.f32 v9, v3;
	v18 =	vld [tilespmem:s8+$0xFFFFFFE0];
	v26 =	vadd.f32 v26, v29;
	v29 =	vmul.f32 v10, v4  }
0x5d: {  	v33 =	vld [tilespmem:s8+$0xFFFFFFF0];
	v4 =	vadd.f32 v32, v16;
	v16 =	vshll.u32 v23, $0x10;
	v23 =	vmul.f32 v23, v27;
	[tilespmem:s31+$0x50] =	vst v2  }
0x5e: {  	v6 =	vadd.f32 v11, v6;
	v2 =	vshll.u32 v1, $0x10;
	v1 =	vmul.f32 v1, v0;
	v13 =	vld.idx.msk [tilespmem:v13+s15+$0x0], $0xffff  }
0x5f: {  	[tilespmem:s6+$0x2050] =	vst v5;
	v34 =	vshll.u32 v7, $0x10;
	v7 =	vmul.f32 v7, v20;
	v16 =	vadd.f32 v16, v23;
	v23 =	vld [tilespmem:s8+$0x10]  }
0x60: {  	v37 =	vld [tilespmem:s8+$0xFFFFFFD0];
	[tilespmem:s31+$0x20] =	vst v4;
	v4 =	vtrunc.f32 v61;
	v35 =	vadd.f32 v2, v1;
	v1 =	vtrunc.f32 v30  }
0x61: {  	v5 =	vadd.f32 v34, v7;
	[tilespmem:s31+$0x10] =	vst v26;
	v2 =	vtrunc.f32 v18;
	v7 =	vcvt.f32.s32 v1  }
0x62: {  	v19 =	vadd.f32 v28, v19;
	v26 =	vld.idx.msk [tilespmem:v22+s15+$0x0], $0xffff;
	v1 =	vcvt.f32.s32 v2;
	v2 =	vtrunc.f32 v33  }
0x63: {  	v8 =	vadd.f32 v8, v24;
	[tilespmem:s6+$0x2030] =	vst v9;
	v3 =	vcvt.f32.s32 v4;
	v2 =	vcvt.f32.s32 v2  }
0x64: {  	v29 =	vadd.f32 v36, v29;
	v11 =	vld.idx.msk [tilespmem:v25+s15+$0x0], $0xffff;
	[tilespmem:s31+$0x0] =	vst v5;
	v10 =	vmul.f32 v13, v17;
	v4 =	vtrunc.f32 v23  }
0x65: {  	s16 =	sand.u32 $0x1FE0, s30;
	[tilespmem:s31+$0x30] =	vst v16;
	v25 =	vld.idx.msk [tilespmem:v14+s15+$0x0], $0xffff;
	v5 =	vshll.u32 v13, $0x10;
	v13 =	vtrunc.f32 v37;
	v4 =	vcvt.f32.s32 v4  }
0x66: {  	[tilespmem:s16+$0x16000] =	vst v6;
	v14 =	vld.idx.msk [tilespmem:v12+s15+$0x0], $0xffff;
	v28 =	vadd.f32 v5, v10;
	v10 =	vcvt.f32.s32 v13;
	v5 =	vcvt.s32.f32 v1  }
0x67: {  	[tilespmem:s6+$0x2010] =	vst v19;
	v17 =	vcvt.s32.f32 v3;
	v16 =	vcvt.s32.f32 v2;
	v13 =	vshll.u32 v26, $0x10;
	v62 =	vld.idx.msk [tilespmem:v7+s30+$0x0], $0xffff  }
0x68: {  	[tilespmem:s6+$0x2020] =	vst v8;
	v63 =	vld.idx.msk [tilespmem:v1+s30+$0x0], $0xffff;
	v19 =	vcvt.s32.f32 v10;
	v6 =	vsub.f32 v18, v5;
	v18 =	vcvt.s32.f32 v7  }
0x69: {  	[tilespmem:s31+$0x40] =	vst v35;
	v8 =	vsub.f32 v33, v16;
	v16 =	vcvt.s32.f32 v4;
	v5 =	vsub.f32 v61, v17;
	v24 =	vld.idx.msk [tilespmem:v2+s30+$0x0], $0xffff  }
0x6a: {  	v12 =	vld.idx.msk [tilespmem:v15+s15+$0x0], $0xffff;
	v17 =	vmul.f32 v26, v31;
	v9 =	vsub.f32 v37, v19;
	v15 =	vsub.f32 v30, v18  }
0x6b: {  	v22 =	vld.idx.msk [tilespmem:v3+s30+$0x0], $0xffff;
	v19 =	vmul.f32 v25, v20;
	v20 =	vsub.f32 v23, v16;
	v16 =	vmul.f32 v11, v21  }
0x6c: {  	s29 =	sshll.u32 s28, $0xE;
	s0 =	simm.s32 $0x14060;
	[tilespmem:s6+$0x2040] =	vst v29;
	v21 =	vshll.u32 v25, $0x10;
	v18 =	vmul.f32 v14, v27;
	v23 =	vld.idx.msk [tilespmem:v4+s30+$0x0], $0xffff;
	v26 =	vmul.f32 v62, v15  }
0x6d: {  	s5 =	simm.s32 $0x10150;
	s3 =	simm.s32 $0x0;
	s16 =	simm.s32 $0xC;
	[tilespmem:s31+$0x2050] =	vst v28;
	v25 =	vld.idx.msk [tilespmem:v10+s30+$0x0], $0xffff;
	v29 =	vshll.u32 v62, $0x10;
	v27 =	vshll.u32 v63, $0x10;
	v28 =	vmul.f32 v63, v6  }
.LBB2_3:
0x6e: {  	v30 =	vld [tilespmem:s5+$0x20];
	s16 =	sadd.s32 $0x6, s16;
	v31 =	vshll.u32 v24, $0x10;
	v24 =	vmul.f32 v24, v8;
	v26 =	vadd.f32 v29, v26  }
0x6f: {  	v32 =	vmul.f32 v12, v0;
	s31 =	sadd.s32 $0x60, s31;
	v0 =	vmovc v20;
	v29 =	vld [tilespmem:s5+$0xFFFFFFE0];
	p1 =	slt.u32 s16, $0x1F8;
	v27 =	vadd.f32 v27, v28;
	v28 =	vshll.u32 v11, $0x10  }
0x70: {  	v20 =	vld [tilespmem:s5+$0xFFFFFFF0];
	v11 =	vadd.f32 v31, v24;
	v24 =	vshll.u32 v22, $0x10;
	v22 =	vmul.f32 v22, v5;
	[tilespmem:s31+$0x50] =	vst v26  }
0x71: {  	v14 =	vshll.u32 v14, $0x10;
	v26 =	vshll.u32 v23, $0x10;
	v23 =	vmul.f32 v23, v0;
	[tilespmem:s31+$0x10] =	vst v27;
	v27 =	vld.idx.msk [tilespmem:v7+s15+$0x0], $0xffff  }
0x72: {  	v33 =	vshll.u32 v25, $0x10;
	v25 =	vmul.f32 v25, v9;
	v31 =	vld [tilespmem:s5+$0x0];
	[tilespmem:s31+$0x20] =	vst v11;
	v11 =	vadd.f32 v24, v22  }
0x73: {  	v22 =	vadd.f32 v26, v23;
	v23 =	vshll.u32 v12, $0x10;
	v34 =	vld [tilespmem:s5+$0x10];
	v7 =	vtrunc.f32 v30  }
0x74: {  	v24 =	vadd.f32 v33, v25;
	v26 =	vld [tilespmem:s5+$0xFFFFFFD0];
	v12 =	vtrunc.f32 v29;
	v7 =	vcvt.f32.s32 v7;
	[tilespmem:s31+$0x30] =	vst v11  }
0x75: {  	s3 =	sadd.s32 $0x60, s3;
	v25 =	vtrunc.f32 v20;
	v33 =	vld.idx.msk [tilespmem:v1+s15+$0x0], $0xffff;
	v1 =	vcvt.f32.s32 v12;
	[tilespmem:s31+$0x40] =	vst v22;
	v12 =	vadd.f32 v21, v19  }
0x76: {  	v13 =	vadd.f32 v13, v17;
	s6 =	sand.u32 $0x1FE0, s3;
	v16 =	vadd.f32 v28, v16;
	[tilespmem:s31+$0x0] =	vst v24;
	v11 =	vld.idx.msk [tilespmem:v2+s15+$0x0], $0xffff;
	v2 =	vcvt.f32.s32 v25  }
0x77: {  	v17 =	vtrunc.f32 v31;
	v21 =	vld.idx.msk [tilespmem:v10+s15+$0x0], $0xffff;
	v10 =	vmul.f32 v27, v15;
	[tilespmem:s6+$0x16000] =	vst v12;
	v15 =	vadd.f32 v14, v18  }
0x78: {  	v18 =	vtrunc.f32 v34;
	v14 =	vld.idx.msk [tilespmem:v3+s15+$0x0], $0xffff;
	v3 =	vcvt.f32.s32 v17;
	v17 =	vshll.u32 v27, $0x10;
	[tilespmem:s0+$0x2010] =	vst v13  }
0x79: {  	v13 =	vtrunc.f32 v26;
	v12 =	vld.idx.msk [tilespmem:v4+s15+$0x0], $0xffff;
	v4 =	vcvt.f32.s32 v18;
	v17 =	vadd.f32 v17, v10;
	[tilespmem:s0+$0x2020] =	vst v16  }
0x7a: {  	v16 =	vcvt.s32.f32 v1;
	v10 =	vcvt.f32.s32 v13;
	v35 =	vld.idx.msk [tilespmem:v7+s30+$0x0], $0xffff;
	[tilespmem:s0+$0x2030] =	vst v15;
	v15 =	vadd.f32 v23, v32  }
0x7b: {  	v18 =	vcvt.s32.f32 v2;
	v19 =	vcvt.s32.f32 v3;
	v13 =	vshll.u32 v33, $0x10;
	v28 =	vld.idx.msk [tilespmem:v1+s30+$0x0], $0xffff;
	[tilespmem:s31+$0x2050] =	vst v17  }
0x7c: {  	v27 =	vsub.f32 v29, v16;
	v16 =	vcvt.s32.f32 v7;
	v17 =	vcvt.s32.f32 v10;
	v24 =	vld.idx.msk [tilespmem:v2+s30+$0x0], $0xffff;
	[tilespmem:s0+$0x2040] =	vst v15;
	s0 =	smov.u32 s31  }
.Ltmp2:
0x7d: {  	v32 =	vsub.f32 v20, v18;
	v18 =	vcvt.s32.f32 v4;
	v31 =	vsub.f32 v31, v19;
	(pc) =	sbr.rel @p1 .LBB2_3-.Ltmp2, $4  }
0x7e: {  	v19 =	vmul.f32 v21, v9;
	v15 =	vsub.f32 v30, v16;
	v22 =	vld.idx.msk [tilespmem:v3+s30+$0x0], $0xffff;
	v9 =	vsub.f32 v26, v17  }
0x7f: {  	v20 =	vsub.f32 v34, v18;
	v16 =	vmul.f32 v11, v8;
	v17 =	vmul.f32 v33, v6;
	v23 =	vld.idx.msk [tilespmem:v4+s30+$0x0], $0xffff  }
0x80: {  	v21 =	vshll.u32 v21, $0x10;
	v18 =	vmul.f32 v14, v5;
	v6 =	vmovc v27;
	v26 =	vmul.f32 v35, v15;
	v25 =	vld.idx.msk [tilespmem:v10+s30+$0x0], $0xffff  }
0x81: {  	s5 =	sadd.s32 $0x60, s5;
	v8 =	vmovc v32;
	v5 =	vmovc v31;
	v29 =	vshll.u32 v35, $0x10;
	v27 =	vshll.u32 v28, $0x10;
	v28 =	vmul.f32 v28, v6  }
0x82: {  	v26 =	vadd.f32 v29, v26  }
0x83: {  	v30 =	vmul.f32 v24, v8;
	s5 =	sadd.s32 $0x60, s31;
	v19 =	vadd.f32 v21, v19;
	s3 =	sadd.s32 $0x60, s3  }
0x84: {  	v52 =	vshll.u32 v24, $0x10;
	v27 =	vadd.f32 v27, v28;
	v53 =	vmul.f32 v22, v5;
	s6 =	sand.u32 $0x1FE0, s3;
	[tilespmem:s5+$0x50] =	vst v26  }
0x85: {  	v54 =	vshll.u32 v22, $0x10;
	v24 =	vadd.f32 v52, v30;
	v55 =	vmul.f32 v23, v20;
	[tilespmem:s6+$0x16000] =	vst v19  }
0x86: {  	v56 =	vshll.u32 v23, $0x10;
	v50 =	vmul.f32 v25, v9;
	[tilespmem:s5+$0x10] =	vst v27;
	v7 =	vld.idx.msk [tilespmem:v7+s15+$0x0], $0xffff;
	v22 =	vadd.f32 v54, v53  }
0x87: {  	v51 =	vshll.u32 v25, $0x10;
	[tilespmem:s5+$0x20] =	vst v24;
	v23 =	vadd.f32 v56, v55;
	v1 =	vld.idx.msk [tilespmem:v1+s15+$0x0], $0xffff  }
0x88: {  	v25 =	vadd.f32 v51, v50;
	[tilespmem:s5+$0x30] =	vst v22;
	v2 =	vld.idx.msk [tilespmem:v2+s15+$0x0], $0xffff  }
0x89: {  	v11 =	vshll.u32 v11, $0x10;
	v13 =	vadd.f32 v13, v17;
	[tilespmem:s5+$0x40] =	vst v23;
	v3 =	vld.idx.msk [tilespmem:v3+s15+$0x0], $0xffff  }
0x8a: {  	v14 =	vshll.u32 v14, $0x10;
	v0 =	vmul.f32 v12, v0;
	v11 =	vadd.f32 v11, v16;
	[tilespmem:s5+$0x0] =	vst v25;
	v4 =	vld.idx.msk [tilespmem:v4+s15+$0x0], $0xffff  }
0x8b: {  	v57 =	vshll.u32 v12, $0x10;
	v14 =	vadd.f32 v14, v18;
	[tilespmem:s0+$0x2010] =	vst v13;
	v10 =	vld.idx.msk [tilespmem:v10+s15+$0x0], $0xffff;
	v15 =	vmul.f32 v7, v15  }
0x8c: {  	v0 =	vadd.f32 v57, v0;
	[tilespmem:s0+$0x2020] =	vst v11;
	v7 =	vshll.u32 v7, $0x10;
	v6 =	vmul.f32 v1, v6  }
0x8d: {  	[tilespmem:s0+$0x2030] =	vst v14;
	v1 =	vshll.u32 v1, $0x10;
	v7 =	vadd.f32 v7, v15;
	v59 =	vmul.f32 v2, v8  }
0x8e: {  	[tilespmem:s0+$0x2040] =	vst v0;
	v2 =	vshll.u32 v2, $0x10;
	v61 =	vmul.f32 v3, v5;
	v1 =	vadd.f32 v1, v6  }
0x8f: {  	v3 =	vshll.u32 v3, $0x10;
	[tilespmem:s5+$0x2050] =	vst v7;
	v62 =	vmul.f32 v4, v20;
	v2 =	vadd.f32 v2, v59  }
0x90: {  	v4 =	vshll.u32 v4, $0x10;
	v58 =	vmul.f32 v10, v9;
	v0 =	vadd.f32 v3, v61;
	[tilespmem:s5+$0x2010] =	vst v1  }
0x91: {  	v10 =	vshll.u32 v10, $0x10;
	[tilespmem:s5+$0x2020] =	vst v2;
	v63 =	vadd.f32 v4, v62  }
0x92: {  	s3 =	sadd.s32 $0x60, s3;
	v60 =	vadd.f32 v10, v58;
	[tilespmem:s5+$0x2030] =	vst v0  }
0x93: {  	s31 =	sand.u32 $0x1FE0, s3;
	[tilespmem:s5+$0x2040] =	vst v63  }
0x94: {  	[tilespmem:s31+$0x16000] =	vst v60  }
.LBB2_5:
0x95: {  	s0 =	sshra.s32 s30, $0x2  }
0x96: {  	v0 =	vld [tilespmem:s0+$0x11FE0];
	_ =	sdelay $0x4  }
0x97: {  	v1 =	vtrunc.f32 v0  }
0x98: {  	v1 =	vcvt.f32.s32 v1;
	_ =	sdelay $0x5  }
0x99: {  	v2 =	vld.idx.msk [tilespmem:v1+s4+$0x0], $0xffff  }
0x9a: {  	v3 =	vcvt.s32.f32 v1;
	_ =	sdelay $0x1  }
0x9b: {  	v0 =	vsub.f32 v0, v3;
	_ =	sdelay $0x1  }
0x9c: {  	v3 =	vmul.f32 v2, v0  }
0x9d: {  	v2 =	vshll.u32 v2, $0x10  }
0x9e: {  	v2 =	vadd.f32 v2, v3;
	_ =	sdelay $0x1  }
0x9f: {  	[tilespmem:s0+$0x15FE0] =	vst v2  }
0xa0: {  	v1 =	vld.idx.msk [tilespmem:v1+s15+$0x0], $0xffff;
	_ =	sdelay $0x3  }
0xa1: {  	p1 =	sne.s32 s30, $0x40  }
.Ltmp3:
0xa2: {  	v0 =	vmul.f32 v1, v0;
	(pc) =	sbr.rel @p1 .LBB2_5-.Ltmp3, $3  }
0xa3: {  	v1 =	vshll.u32 v1, $0x10  }
0xa4: {  	v0 =	vadd.f32 v1, v0;
	_ =	sdelay $0x1  }
0xa5: {  	s30 =	sadd.s32 $0x40, s30;
	[tilespmem:s0+$0x17FE0] =	vst v0  }
0xa6: {  	s0 =	sor.u32 s9, s29  }
0xa7: {  	s0 =	sshrl.u32 s0, $0x3  }
0xa8: {  	s16 =	sor.u32 s10, s29;
	s0 =	sadd.s32 s2, s0  }
0xa9: {  	[hbm4b:s0+s4] =	stream.linear.scatter [tilespmem:s19], [sflag:$0x3], $0x2000, $0x38;
	[tilespmem:$0x1C000] =	vst v63  }
0xaa: {  	s0 =	sshrl.u32 s16, $0x3  }
0xab: {  	p1 =	seq.s32 s28, $0x3F;
	s0 =	sadd.s32 s2, s0  }
0xac: {  	[hbm4b:s0+s4] =	stream.linear.scatter [tilespmem:s20], [sflag:$0x3], $0x2000, $0x38;
	[tilespmem:$0x1C000] =	vst v63  }
0xad: {  	s0 =	sadd.s32 @!p1 s29, s11  }
0xae: {  	s0 =	sshrl.u32 @!p1 s0, $0x3  }
0xaf: {  	s3 =	simm.s32 @!p1 $0x0;
	s5 =	simm.s32 @!p1 $0x10000;
	s0 =	sadd.s32 @!p1 s1, s0  }
0xb0: {  	[tilespmem:s5], [sflag:$0x1] =	stream.linear.gather @!p1 [hbm4b:s0+s3], $0x2000, $0x38;
	[tilespmem:$0x1C000] =	vst v63  }
0xb1: {  	_ =	swait.ge [sflag:s21], $0x2000  }
0xb2: {  	[sflag:s21] =	ssyncset.done $0x0  }
0xb3: {  	s0 =	simm.s32 @!p0 $0x4;
	[sflag:s21] =	ssyncadd.s32 $0xFFFFE000  }
0xb4: {  	_ =	swait.ge @!p0 [sflag:s0], $0x2000  }
0xb5: {  	[sflag:s0] =	ssyncset.done @!p0 $0x0  }
0xb6: {  	[sflag:s0] =	ssyncadd.s32 @!p0 $0xFFFFE000  }
0xb7: {  	_ =	swait.ge @!p0 [sflag:s0], $0x2000  }
0xb8: {  	[sflag:s0] =	ssyncset.done @!p0 $0x0  }
0xb9: {  	s3 =	simm.s32 $0x12030;
	[sflag:s0] =	ssyncadd.s32 @!p0 $0xFFFFE000  }
0xba: {  	v0 =	vld [tilespmem:s3+$0x20]  }
0xbb: {  	v2 =	vld [tilespmem:s3+$0xFFFFFFF0]  }
0xbc: {  	v1 =	vld [tilespmem:s3+$0xFFFFFFE0]  }
0xbd: {  	v3 =	vld [tilespmem:s3+$0x0]  }
0xbe: {  	v4 =	vld [tilespmem:s3+$0x10]  }
0xbf: {  	v6 =	vld [tilespmem:s3+$0xFFFFFFD0];
	v5 =	vtrunc.f32 v0  }
0xc0: {  	v8 =	vtrunc.f32 v2;
	v5 =	vcvt.f32.s32 v5  }
0xc1: {  	v7 =	vtrunc.f32 v1;
	v8 =	vcvt.f32.s32 v8  }
0xc2: {  	v9 =	vtrunc.f32 v3;
	v7 =	vcvt.f32.s32 v7  }
0xc3: {  	v9 =	vcvt.f32.s32 v9;
	v17 =	vcvt.s32.f32 v8  }
0xc4: {  	s5 =	simm.s32 $0x12090;
	v10 =	vtrunc.f32 v4;
	v11 =	vtrunc.f32 v6  }
0xc5: {  	s30 =	simm.s32 $0x0;
	v10 =	vcvt.f32.s32 v10;
	v20 =	vcvt.s32.f32 v9;
	v2 =	vsub.f32 v2, v17;
	v17 =	vld [tilespmem:s5+$0x20]  }
0xc6: {  	v11 =	vcvt.f32.s32 v11;
	v12 =	vld.idx.msk [tilespmem:v5+s30+$0x0], $0xffff  }
0xc7: {  	v13 =	vcvt.s32.f32 v5;
	v3 =	vsub.f32 v3, v20;
	v20 =	vld [tilespmem:s5+$0xFFFFFFE0]  }
0xc8: {  	v14 =	vld.idx.msk [tilespmem:v7+s30+$0x0], $0xffff  }
0xc9: {  	v0 =	vsub.f32 v0, v13;
	v15 =	vld.idx.msk [tilespmem:v8+s30+$0x0], $0xffff  }
0xca: {  	v13 =	vcvt.s32.f32 v7;
	v16 =	vld.idx.msk [tilespmem:v9+s30+$0x0], $0xffff  }
0xcb: {  	v21 =	vcvt.s32.f32 v11;
	v18 =	vld.idx.msk [tilespmem:v10+s30+$0x0], $0xffff;
	v19 =	vmul.f32 v12, v0  }
0xcc: {  	v1 =	vsub.f32 v1, v13;
	v13 =	vld.idx.msk [tilespmem:v11+s30+$0x0], $0xffff;
	v25 =	vtrunc.f32 v17;
	v12 =	vshll.u32 v12, $0x10  }
0xcd: {  	v23 =	vld [tilespmem:s5+$0xFFFFFFF0];
	v27 =	vtrunc.f32 v20;
	v12 =	vadd.f32 v12, v19;
	v19 =	vcvt.s32.f32 v10  }
0xce: {  	s6 =	simm.s32 $0x18000;
	v26 =	vld [tilespmem:s5+$0xFFFFFFD0];
	v6 =	vsub.f32 v6, v21;
	v21 =	vmul.f32 v14, v1;
	v22 =	vmul.f32 v15, v2  }
0xcf: {  	[tilespmem:s6+$0x50] =	vst v12;
	v4 =	vsub.f32 v4, v19;
	v12 =	vshll.u32 v14, $0x10;
	v14 =	vshll.u32 v15, $0x10;
	v19 =	vld [tilespmem:s5+$0x0]  }
0xd0: {  	v15 =	vmul.f32 v16, v3;
	v16 =	vshll.u32 v16, $0x10;
	v5 =	vld.idx.msk [tilespmem:v5+s15+$0x0], $0xffff;
	v12 =	vadd.f32 v12, v21  }
0xd1: {  	v24 =	vld [tilespmem:s5+$0x10];
	v14 =	vadd.f32 v14, v22;
	v22 =	vmul.f32 v13, v6;
	v21 =	vmul.f32 v18, v4  }
0xd2: {  	[tilespmem:s6+$0x10] =	vst v12;
	v12 =	vshll.u32 v13, $0x10;
	v13 =	vcvt.f32.s32 v25;
	v25 =	vtrunc.f32 v23  }
0xd3: {  	[tilespmem:s6+$0x20] =	vst v14;
	v14 =	vadd.f32 v16, v15;
	v12 =	vadd.f32 v12, v22;
	v22 =	vcvt.f32.s32 v27  }
0xd4: {  	v25 =	vcvt.f32.s32 v25;
	v15 =	vtrunc.f32 v19  }
0xd5: {  	v18 =	vshll.u32 v18, $0x10;
	v7 =	vld.idx.msk [tilespmem:v7+s15+$0x0], $0xffff;
	[tilespmem:s6+$0x30] =	vst v14;
	v14 =	vtrunc.f32 v26;
	v0 =	vmul.f32 v5, v0  }
0xd6: {  	v16 =	vadd.f32 v18, v21;
	v8 =	vld.idx.msk [tilespmem:v8+s15+$0x0], $0xffff;
	[tilespmem:s6+$0x0] =	vst v12;
	v12 =	vcvt.f32.s32 v15;
	v15 =	vtrunc.f32 v24  }
0xd7: {  	v5 =	vshll.u32 v5, $0x10;
	v9 =	vld.idx.msk [tilespmem:v9+s15+$0x0], $0xffff;
	v14 =	vcvt.f32.s32 v14;
	v21 =	vcvt.s32.f32 v25  }
0xd8: {  	[tilespmem:s6+$0x40] =	vst v16;
	v11 =	vld.idx.msk [tilespmem:v11+s15+$0x0], $0xffff;
	v15 =	vcvt.f32.s32 v15;
	v5 =	vadd.f32 v5, v0;
	v0 =	vcvt.s32.f32 v22  }
0xd9: {  	v10 =	vld.idx.msk [tilespmem:v10+s15+$0x0], $0xffff;
	v27 =	vcvt.s32.f32 v12;
	v30 =	vcvt.s32.f32 v14  }
0xda: {  	v21 =	vsub.f32 v23, v21;
	v18 =	vld.idx.msk [tilespmem:v13+s30+$0x0], $0xffff;
	v28 =	vshll.u32 v7, $0x10;
	v31 =	vsub.f32 v20, v0  }
0xdb: {  	v29 =	vld.idx.msk [tilespmem:v22+s30+$0x0], $0xffff;
	v0 =	vcvt.s32.f32 v13;
	v27 =	vsub.f32 v19, v27;
	v19 =	vcvt.s32.f32 v15  }
0xdc: {  	s8 =	simm.s32 $0x120F0;
	v16 =	vld.idx.msk [tilespmem:v25+s30+$0x0], $0xffff;
	v20 =	vsub.f32 v26, v30;
	v3 =	vmul.f32 v9, v3;
	v9 =	vshll.u32 v9, $0x10  }
0xdd: {  	v61 =	vld [tilespmem:s8+$0x0];
	v17 =	vsub.f32 v17, v0;
	v6 =	vmul.f32 v11, v6;
	v0 =	vsub.f32 v24, v19  }
0xde: {  	v23 =	vld.idx.msk [tilespmem:v12+s30+$0x0], $0xffff;
	v19 =	vmul.f32 v7, v1;
	v24 =	vmul.f32 v8, v2;
	v11 =	vshll.u32 v11, $0x10  }
0xdf: {  	v8 =	vshll.u32 v8, $0x10;
	v36 =	vshll.u32 v10, $0x10;
	v1 =	vld.idx.msk [tilespmem:v15+s30+$0x0], $0xffff;
	v2 =	vmul.f32 v18, v17  }
0xe0: {  	v7 =	vld.idx.msk [tilespmem:v14+s30+$0x0], $0xffff;
	v18 =	vshll.u32 v18, $0x10;
	v26 =	vshll.u32 v29, $0x10;
	v29 =	vmul.f32 v29, v31  }
0xe1: {  	v30 =	vld [tilespmem:s8+$0x20];
	v32 =	vshll.u32 v16, $0x10;
	v16 =	vmul.f32 v16, v21;
	v2 =	vadd.f32 v18, v2  }
0xe2: {  	s0 =	simm.s32 $0x18060;
	v9 =	vadd.f32 v9, v3;
	v18 =	vld [tilespmem:s8+$0xFFFFFFE0];
	v26 =	vadd.f32 v26, v29;
	v29 =	vmul.f32 v10, v4  }
0xe3: {  	v33 =	vld [tilespmem:s8+$0xFFFFFFF0];
	v4 =	vadd.f32 v32, v16;
	v16 =	vshll.u32 v23, $0x10;
	v23 =	vmul.f32 v23, v27;
	[tilespmem:s0+$0x50] =	vst v2  }
0xe4: {  	v6 =	vadd.f32 v11, v6;
	v2 =	vshll.u32 v1, $0x10;
	v1 =	vmul.f32 v1, v0;
	v13 =	vld.idx.msk [tilespmem:v13+s15+$0x0], $0xffff  }
0xe5: {  	[tilespmem:s6+$0x2050] =	vst v5;
	v34 =	vshll.u32 v7, $0x10;
	v7 =	vmul.f32 v7, v20;
	v16 =	vadd.f32 v16, v23;
	v23 =	vld [tilespmem:s8+$0x10]  }
0xe6: {  	v37 =	vld [tilespmem:s8+$0xFFFFFFD0];
	[tilespmem:s0+$0x20] =	vst v4;
	v4 =	vtrunc.f32 v61;
	v35 =	vadd.f32 v2, v1;
	v1 =	vtrunc.f32 v30  }
0xe7: {  	v5 =	vadd.f32 v34, v7;
	[tilespmem:s0+$0x10] =	vst v26;
	v2 =	vtrunc.f32 v18;
	v7 =	vcvt.f32.s32 v1  }
0xe8: {  	v19 =	vadd.f32 v28, v19;
	v26 =	vld.idx.msk [tilespmem:v22+s15+$0x0], $0xffff;
	v1 =	vcvt.f32.s32 v2;
	v2 =	vtrunc.f32 v33  }
0xe9: {  	v8 =	vadd.f32 v8, v24;
	[tilespmem:s6+$0x2030] =	vst v9;
	v3 =	vcvt.f32.s32 v4;
	v2 =	vcvt.f32.s32 v2  }
0xea: {  	v29 =	vadd.f32 v36, v29;
	v11 =	vld.idx.msk [tilespmem:v25+s15+$0x0], $0xffff;
	[tilespmem:s0+$0x0] =	vst v5;
	v10 =	vmul.f32 v13, v17;
	v4 =	vtrunc.f32 v23  }
0xeb: {  	s16 =	sand.u32 $0x1FE0, s30;
	[tilespmem:s0+$0x30] =	vst v16;
	v25 =	vld.idx.msk [tilespmem:v14+s15+$0x0], $0xffff;
	v5 =	vshll.u32 v13, $0x10;
	v13 =	vtrunc.f32 v37;
	v4 =	vcvt.f32.s32 v4  }
0xec: {  	[tilespmem:s16+$0x1A000] =	vst v6;
	v14 =	vld.idx.msk [tilespmem:v12+s15+$0x0], $0xffff;
	v28 =	vadd.f32 v5, v10;
	v10 =	vcvt.f32.s32 v13;
	v5 =	vcvt.s32.f32 v1  }
0xed: {  	[tilespmem:s6+$0x2010] =	vst v19;
	v17 =	vcvt.s32.f32 v3;
	v16 =	vcvt.s32.f32 v2;
	v13 =	vshll.u32 v26, $0x10;
	v62 =	vld.idx.msk [tilespmem:v7+s30+$0x0], $0xffff  }
0xee: {  	[tilespmem:s6+$0x2020] =	vst v8;
	v63 =	vld.idx.msk [tilespmem:v1+s30+$0x0], $0xffff;
	v19 =	vcvt.s32.f32 v10;
	v6 =	vsub.f32 v18, v5;
	v18 =	vcvt.s32.f32 v7  }
0xef: {  	[tilespmem:s0+$0x40] =	vst v35;
	v8 =	vsub.f32 v33, v16;
	v16 =	vcvt.s32.f32 v4;
	v5 =	vsub.f32 v61, v17;
	v24 =	vld.idx.msk [tilespmem:v2+s30+$0x0], $0xffff  }
0xf0: {  	v12 =	vld.idx.msk [tilespmem:v15+s15+$0x0], $0xffff;
	v17 =	vmul.f32 v26, v31;
	v9 =	vsub.f32 v37, v19;
	v15 =	vsub.f32 v30, v18  }
0xf1: {  	v22 =	vld.idx.msk [tilespmem:v3+s30+$0x0], $0xffff;
	v19 =	vmul.f32 v25, v20;
	v20 =	vsub.f32 v23, v16;
	v16 =	vmul.f32 v11, v21  }
0xf2: {  	s31 =	sor.u32 $0x2000, s29;
	s3 =	simm.s32 $0x18060;
	[tilespmem:s6+$0x2040] =	vst v29;
	v21 =	vshll.u32 v25, $0x10;
	v18 =	vmul.f32 v14, v27;
	v23 =	vld.idx.msk [tilespmem:v4+s30+$0x0], $0xffff;
	v26 =	vmul.f32 v62, v15  }
0xf3: {  	s5 =	simm.s32 $0xC;
	s16 =	simm.s32 $0x0;
	s6 =	simm.s32 $0x12150;
	[tilespmem:s0+$0x2050] =	vst v28;
	v25 =	vld.idx.msk [tilespmem:v10+s30+$0x0], $0xffff;
	v29 =	vshll.u32 v62, $0x10;
	v27 =	vshll.u32 v63, $0x10;
	v28 =	vmul.f32 v63, v6  }
.LBB2_7:
0xf4: {  	v30 =	vld [tilespmem:s6+$0x20];
	s5 =	sadd.s32 $0x6, s5;
	v31 =	vshll.u32 v24, $0x10;
	v24 =	vmul.f32 v24, v8;
	v26 =	vadd.f32 v29, v26  }
0xf5: {  	v32 =	vmul.f32 v12, v0;
	s0 =	sadd.s32 $0x60, s0;
	v0 =	vmovc v20;
	v29 =	vld [tilespmem:s6+$0xFFFFFFE0];
	p0 =	slt.u32 s5, $0x1F8;
	v27 =	vadd.f32 v27, v28;
	v28 =	vshll.u32 v11, $0x10  }
0xf6: {  	v20 =	vld [tilespmem:s6+$0xFFFFFFF0];
	v11 =	vadd.f32 v31, v24;
	v24 =	vshll.u32 v22, $0x10;
	v22 =	vmul.f32 v22, v5;
	[tilespmem:s0+$0x50] =	vst v26  }
0xf7: {  	v14 =	vshll.u32 v14, $0x10;
	v26 =	vshll.u32 v23, $0x10;
	v23 =	vmul.f32 v23, v0;
	[tilespmem:s0+$0x10] =	vst v27;
	v27 =	vld.idx.msk [tilespmem:v7+s15+$0x0], $0xffff  }
0xf8: {  	v33 =	vshll.u32 v25, $0x10;
	v25 =	vmul.f32 v25, v9;
	v31 =	vld [tilespmem:s6+$0x0];
	[tilespmem:s0+$0x20] =	vst v11;
	v11 =	vadd.f32 v24, v22  }
0xf9: {  	v22 =	vadd.f32 v26, v23;
	v23 =	vshll.u32 v12, $0x10;
	v34 =	vld [tilespmem:s6+$0x10];
	v7 =	vtrunc.f32 v30  }
0xfa: {  	v24 =	vadd.f32 v33, v25;
	v26 =	vld [tilespmem:s6+$0xFFFFFFD0];
	v12 =	vtrunc.f32 v29;
	v7 =	vcvt.f32.s32 v7;
	[tilespmem:s0+$0x30] =	vst v11  }
0xfb: {  	s16 =	sadd.s32 $0x60, s16;
	v25 =	vtrunc.f32 v20;
	v33 =	vld.idx.msk [tilespmem:v1+s15+$0x0], $0xffff;
	v1 =	vcvt.f32.s32 v12;
	[tilespmem:s0+$0x40] =	vst v22;
	v12 =	vadd.f32 v21, v19  }
0xfc: {  	v13 =	vadd.f32 v13, v17;
	s8 =	sand.u32 $0x1FE0, s16;
	v16 =	vadd.f32 v28, v16;
	[tilespmem:s0+$0x0] =	vst v24;
	v11 =	vld.idx.msk [tilespmem:v2+s15+$0x0], $0xffff;
	v2 =	vcvt.f32.s32 v25  }
0xfd: {  	v17 =	vtrunc.f32 v31;
	v21 =	vld.idx.msk [tilespmem:v10+s15+$0x0], $0xffff;
	v10 =	vmul.f32 v27, v15;
	[tilespmem:s8+$0x1A000] =	vst v12;
	v15 =	vadd.f32 v14, v18  }
0xfe: {  	v18 =	vtrunc.f32 v34;
	v14 =	vld.idx.msk [tilespmem:v3+s15+$0x0], $0xffff;
	v3 =	vcvt.f32.s32 v17;
	v17 =	vshll.u32 v27, $0x10;
	[tilespmem:s3+$0x2010] =	vst v13  }
0xff: {  	v13 =	vtrunc.f32 v26;
	v12 =	vld.idx.msk [tilespmem:v4+s15+$0x0], $0xffff;
	v4 =	vcvt.f32.s32 v18;
	v17 =	vadd.f32 v17, v10;
	[tilespmem:s3+$0x2020] =	vst v16  }
0x100: {  	v16 =	vcvt.s32.f32 v1;
	v10 =	vcvt.f32.s32 v13;
	v35 =	vld.idx.msk [tilespmem:v7+s30+$0x0], $0xffff;
	[tilespmem:s3+$0x2030] =	vst v15;
	v15 =	vadd.f32 v23, v32  }
0x101: {  	v18 =	vcvt.s32.f32 v2;
	v19 =	vcvt.s32.f32 v3;
	v13 =	vshll.u32 v33, $0x10;
	v28 =	vld.idx.msk [tilespmem:v1+s30+$0x0], $0xffff;
	[tilespmem:s0+$0x2050] =	vst v17  }
0x102: {  	v27 =	vsub.f32 v29, v16;
	v16 =	vcvt.s32.f32 v7;
	v17 =	vcvt.s32.f32 v10;
	v24 =	vld.idx.msk [tilespmem:v2+s30+$0x0], $0xffff;
	[tilespmem:s3+$0x2040] =	vst v15;
	s3 =	smov.u32 s0  }
.Ltmp4:
0x103: {  	v32 =	vsub.f32 v20, v18;
	v18 =	vcvt.s32.f32 v4;
	v31 =	vsub.f32 v31, v19;
	(pc) =	sbr.rel @p0 .LBB2_7-.Ltmp4, $4  }
0x104: {  	v19 =	vmul.f32 v21, v9;
	v15 =	vsub.f32 v30, v16;
	v22 =	vld.idx.msk [tilespmem:v3+s30+$0x0], $0xffff;
	v9 =	vsub.f32 v26, v17  }
0x105: {  	v20 =	vsub.f32 v34, v18;
	v16 =	vmul.f32 v11, v8;
	v17 =	vmul.f32 v33, v6;
	v23 =	vld.idx.msk [tilespmem:v4+s30+$0x0], $0xffff  }
0x106: {  	v21 =	vshll.u32 v21, $0x10;
	v18 =	vmul.f32 v14, v5;
	v6 =	vmovc v27;
	v26 =	vmul.f32 v35, v15;
	v25 =	vld.idx.msk [tilespmem:v10+s30+$0x0], $0xffff  }
0x107: {  	s6 =	sadd.s32 $0x60, s6;
	v8 =	vmovc v32;
	v5 =	vmovc v31;
	v29 =	vshll.u32 v35, $0x10;
	v27 =	vshll.u32 v28, $0x10;
	v28 =	vmul.f32 v28, v6  }
0x108: {  	v26 =	vadd.f32 v29, v26  }
0x109: {  	v30 =	vmul.f32 v24, v8;
	s0 =	sadd.s32 $0x60, s0;
	v19 =	vadd.f32 v21, v19;
	s5 =	sadd.s32 $0x60, s16  }
0x10a: {  	v52 =	vshll.u32 v24, $0x10;
	v27 =	vadd.f32 v27, v28;
	v53 =	vmul.f32 v22, v5;
	s6 =	sand.u32 $0x1FE0, s5;
	[tilespmem:s0+$0x50] =	vst v26  }
0x10b: {  	v54 =	vshll.u32 v22, $0x10;
	v24 =	vadd.f32 v52, v30;
	v55 =	vmul.f32 v23, v20;
	[tilespmem:s6+$0x1A000] =	vst v19  }
0x10c: {  	v56 =	vshll.u32 v23, $0x10;
	v50 =	vmul.f32 v25, v9;
	[tilespmem:s0+$0x10] =	vst v27;
	v7 =	vld.idx.msk [tilespmem:v7+s15+$0x0], $0xffff;
	v22 =	vadd.f32 v54, v53  }
0x10d: {  	v51 =	vshll.u32 v25, $0x10;
	[tilespmem:s0+$0x20] =	vst v24;
	v23 =	vadd.f32 v56, v55;
	v1 =	vld.idx.msk [tilespmem:v1+s15+$0x0], $0xffff  }
0x10e: {  	v25 =	vadd.f32 v51, v50;
	[tilespmem:s0+$0x30] =	vst v22;
	v2 =	vld.idx.msk [tilespmem:v2+s15+$0x0], $0xffff  }
0x10f: {  	v11 =	vshll.u32 v11, $0x10;
	v13 =	vadd.f32 v13, v17;
	[tilespmem:s0+$0x40] =	vst v23;
	v3 =	vld.idx.msk [tilespmem:v3+s15+$0x0], $0xffff  }
0x110: {  	v14 =	vshll.u32 v14, $0x10;
	v0 =	vmul.f32 v12, v0;
	v11 =	vadd.f32 v11, v16;
	[tilespmem:s0+$0x0] =	vst v25;
	v4 =	vld.idx.msk [tilespmem:v4+s15+$0x0], $0xffff  }
0x111: {  	v57 =	vshll.u32 v12, $0x10;
	v14 =	vadd.f32 v14, v18;
	[tilespmem:s3+$0x2010] =	vst v13;
	v10 =	vld.idx.msk [tilespmem:v10+s15+$0x0], $0xffff;
	v15 =	vmul.f32 v7, v15  }
0x112: {  	v0 =	vadd.f32 v57, v0;
	[tilespmem:s3+$0x2020] =	vst v11;
	v7 =	vshll.u32 v7, $0x10;
	v6 =	vmul.f32 v1, v6  }
0x113: {  	[tilespmem:s3+$0x2030] =	vst v14;
	v1 =	vshll.u32 v1, $0x10;
	v7 =	vadd.f32 v7, v15;
	v59 =	vmul.f32 v2, v8  }
0x114: {  	[tilespmem:s3+$0x2040] =	vst v0;
	v2 =	vshll.u32 v2, $0x10;
	v61 =	vmul.f32 v3, v5;
	v1 =	vadd.f32 v1, v6  }
0x115: {  	v3 =	vshll.u32 v3, $0x10;
	[tilespmem:s0+$0x2050] =	vst v7;
	v62 =	vmul.f32 v4, v20;
	v2 =	vadd.f32 v2, v59  }
0x116: {  	v4 =	vshll.u32 v4, $0x10;
	v58 =	vmul.f32 v10, v9;
	v0 =	vadd.f32 v3, v61;
	[tilespmem:s0+$0x2010] =	vst v1  }
0x117: {  	v10 =	vshll.u32 v10, $0x10;
	[tilespmem:s0+$0x2020] =	vst v2;
	v63 =	vadd.f32 v4, v62  }
0x118: {  	s5 =	sadd.s32 $0x60, s5;
	v60 =	vadd.f32 v10, v58;
	[tilespmem:s0+$0x2030] =	vst v0  }
0x119: {  	s16 =	sand.u32 $0x1FE0, s5;
	[tilespmem:s0+$0x2040] =	vst v63  }
0x11a: {  	[tilespmem:s16+$0x1A000] =	vst v60  }
.LBB2_9:
0x11b: {  	s0 =	sshra.s32 s30, $0x2  }
0x11c: {  	v0 =	vld [tilespmem:s0+$0x13FE0];
	_ =	sdelay $0x4  }
0x11d: {  	v1 =	vtrunc.f32 v0  }
0x11e: {  	v1 =	vcvt.f32.s32 v1;
	_ =	sdelay $0x5  }
0x11f: {  	v2 =	vld.idx.msk [tilespmem:v1+s4+$0x0], $0xffff  }
0x120: {  	v3 =	vcvt.s32.f32 v1;
	_ =	sdelay $0x1  }
0x121: {  	v0 =	vsub.f32 v0, v3;
	_ =	sdelay $0x1  }
0x122: {  	v3 =	vmul.f32 v2, v0  }
0x123: {  	v2 =	vshll.u32 v2, $0x10  }
0x124: {  	v2 =	vadd.f32 v2, v3;
	_ =	sdelay $0x1  }
0x125: {  	[tilespmem:s0+$0x19FE0] =	vst v2  }
0x126: {  	v1 =	vld.idx.msk [tilespmem:v1+s15+$0x0], $0xffff;
	_ =	sdelay $0x3  }
0x127: {  	p0 =	sne.s32 s30, $0x40  }
.Ltmp5:
0x128: {  	v0 =	vmul.f32 v1, v0;
	(pc) =	sbr.rel @p0 .LBB2_9-.Ltmp5, $3  }
0x129: {  	v1 =	vshll.u32 v1, $0x10  }
0x12a: {  	v0 =	vadd.f32 v1, v0;
	_ =	sdelay $0x1  }
0x12b: {  	s30 =	sadd.s32 $0x40, s30;
	[tilespmem:s0+$0x1BFE0] =	vst v0  }
0x12c: {  	s0 =	sor.u32 s9, s31  }
0x12d: {  	s0 =	sshrl.u32 s0, $0x3  }
.Ltmp6:
0x12e: {  	s31 =	sor.u32 s10, s31;
	s0 =	sadd.s32 s2, s0;
	(pc) =	sbr.rel @p1 .LBB2_12-.Ltmp6, $4  }
0x12f: {  	[hbm4b:s0+s4] =	stream.linear.scatter [tilespmem:s22], [sflag:$0x4], $0x2000, $0x38;
	[tilespmem:$0x1C000] =	vst v63  }
0x130: {  	s0 =	sshrl.u32 s31, $0x3  }
0x131: {  	s0 =	sadd.s32 s2, s0  }
0x132: {  	[hbm4b:s0+s4] =	stream.linear.scatter [tilespmem:s23], [sflag:$0x4], $0x2000, $0x38;
	[tilespmem:$0x1C000] =	vst v63  }
.Ltmp7:
0x133: {  	(pc) =	sbr.rel .LBB2_2-.Ltmp7, $4  }
0x134: {  	s0 =	sadd.s32 s29, s12  }
0x135: {  	s0 =	sshrl.u32 s0, $0x3  }
0x136: {  	s28 =	sadd.s32 $0x1, s28;
	s0 =	sadd.s32 s1, s0  }
0x137: {  	[tilespmem:s17], [sflag:$0x2] =	stream.linear.gather [hbm4b:s0+s4], $0x2000, $0x38;
	[tilespmem:$0x1C000] =	vst v63  }
.LBB2_13:
0x138: {  	_ =	sfence.sel $0x180000  }
0x139: {  	[bflag:$0x0] =	sbarrier.arrive $0xFFFF  }
0x13a: {  	_ =	strace $0x90000047  }
0x13b: {  	s0 =	stileid.u32;
	[bflag:$0x2] =	sbarrier.arrive $0xFFFF  }
0x13c: {  	p0 =	sne.s32 s0, $0x0;
	s0 =	rddreg [dreg:$0x3]  }
0x13d: {  	s0 =	sadd.s32 @!p0 $0x100000, s0  }
0x13e: {  	[sflag:s0] =	ssyncadd.tile.s32 @!p0 $0x1;
	_ =	shalt  }
.Lfunc_end2:
_tile_overlayer_lowered:
.L_overlay_start_2:
0x13f: {  	(tag) =	ssettag $0x2  }
0x140: {  	s0 =	rddreg [dreg:$0x0];
	s2 =	stileid.u32  }
0x141: {  	s1 =	rddreg [dreg:$0x1];
	p0 =	sne.s32 s2, $0x0  }
0x142: {  	s3 =	rddreg [dreg:$0x2];
	[bflag:$0x3] =	sbarrier.arrive $0xFFFF;
	s2 =	simm.s32 @!p0 $0x1C05  }
0x143: {  	[timem:s3], [sflag:s2] =	dma.local @!p0 [hbm:s0], s1  }
0x144: {  	s0 =	simm.s32 @!p0 $0x5  }
0x145: {  	_ =	swait.ge @!p0 [sflag:s0], s1  }
0x146: {  	s1 =	ssub.s32 @!p0 $0x0, s1;
	[sflag:s0] =	ssyncset.done @!p0 $0x0  }
0x147: {  	[sflag:s0] =	ssyncadd.s32 @!p0 s1  }
0x148: {  	[bflag:$0x3] =	sbarrier.arrive $0xFFFF  }
0x149: {  	_ =	shalt  }

</sc_bundles>
